<compile_context>
chip_gen: v7x
topology: tpu7x:2x2x1
jax: 0.10.2.dev20260603
libtpu: 0.0.44.dev20260713+nightly
codegen_flags: <defaults>
</compile_context>

<pallas_src>
import functools

import jax
import jax.numpy as jnp
from jax import lax
from jax.experimental import pallas as pl
from jax.experimental.pallas import tpu as pltpu
from jax.experimental.pallas import tpu_sc as plsc

GAMMA_EXP = 2
ROWS_PER_BLOCK = 1024
NSTREAM = 2
NSUB, LANES = 16, 16
CPAD = 1008


def _focal_rows(x, t, nclass):
    r = x.shape[0]
    m = jnp.max(x, axis=1, keepdims=True)
    s = jnp.sum(jnp.exp(x - m), axis=1, keepdims=True)
    cols = lax.broadcasted_iota(jnp.int32, (r, nclass), 1)
    pred_t = jnp.max(jnp.where(cols == t, x, -jnp.inf), axis=1, keepdims=True)
    logpt = pred_t - m - jnp.log(s)
    ce = -logpt
    pt = jnp.exp(logpt)
    return (1.0 - pt) ** GAMMA_EXP * ce


def _dense_body(*refs, nclass, nstream):
    ins = refs[:nstream]
    tins = refs[nstream:2 * nstream]
    outs = refs[2 * nstream:]
    for x_ref, t_ref, f_ref in zip(ins, tins, outs):
        fv = _focal_rows(x_ref[...], t_ref[...], nclass)
        f_ref[...] = fv.reshape(f_ref.shape)


def _sparse_body(tgt, fin, out, tgt_v, f_v, ones_v, z_v, red_v, acc_v,
                 cnt_sh, wsum_sh, *, chunks, bz):
    s = lax.axis_index("s")
    base = s * chunks

    pltpu.sync_copy(tgt.at[pl.ds(base, chunks)], tgt_v)
    pltpu.sync_copy(fin.at[pl.ds(base, chunks)], f_v)

    for j in range(chunks):
        for v in range(128 // LANES):
            sl = pl.ds(v * LANES, LANES)
            ones_v[j, sl] = jnp.full((LANES,), 1.0, jnp.float32)
    for v in range(CPAD // LANES):
        z_v[pl.ds(v * LANES, LANES)] = jnp.zeros((LANES,), jnp.float32)

    @pl.when(s == 0)
    def _zero():
        pltpu.sync_copy(z_v, cnt_sh)
        pltpu.sync_copy(z_v, wsum_sh)

    plsc.subcore_barrier()

    for j in range(chunks):
        pltpu.sync_copy(ones_v.at[j], cnt_sh.at[tgt_v.at[j]], add=True)
        pltpu.sync_copy(f_v.at[j], wsum_sh.at[tgt_v.at[j]], add=True)

    plsc.subcore_barrier()

    @pl.when(s == 0)
    def _final():
        pltpu.sync_copy(cnt_sh, red_v.at[0])
        pltpu.sync_copy(wsum_sh, red_v.at[1])

        inv_bz = 1.0 / bz

        def body(v, a):
            sl = pl.ds(v * LANES, LANES)
            return a + (1.0 - red_v[0, sl] * inv_bz) * red_v[1, sl]

        acc = lax.fori_loop(0, CPAD // LANES, body, jnp.zeros((LANES,), jnp.float32))
        total = jnp.sum(acc) * inv_bz
        acc_v[...] = jnp.full((LANES,), total, jnp.float32)
        pltpu.sync_copy(acc_v, out)


def kernel(pred, target):
    bz, nclass = pred.shape
    r = ROWS_PER_BLOCK
    ns = NSTREAM
    gsz = bz // r // ns
    chunks = bz // NSUB // 128
    fr = r // 128
    t2d = target.astype(jnp.int32).reshape(bz, 1)

    def mk_in(k):
        return pl.BlockSpec((r, nclass), lambda i, k=k: (i + k * gsz, 0))

    def mk_t(k):
        return pl.BlockSpec((r, 1), lambda i, k=k: (i + k * gsz, 0))

    f = pl.pallas_call(
        functools.partial(_dense_body, nclass=nclass, nstream=ns),
        grid=(gsz,),
        in_specs=[mk_in(k) for k in range(ns)] + [mk_t(k) for k in range(ns)],
        out_specs=[pl.BlockSpec((1, fr, 128), lambda i: (i, 0, 0))] * ns,
        out_shape=[jax.ShapeDtypeStruct((gsz, fr, 128), jnp.float32)] * ns,
        compiler_params=pltpu.CompilerParams(
            dimension_semantics=("arbitrary",),
            vmem_limit_bytes=100 * 1024 * 1024,
        ),
    )(*([pred] * ns + [t2d] * ns))
    fcat = jnp.concatenate(f, axis=0).reshape(128, 128)

    mesh = plsc.VectorSubcoreMesh(core_axis_name="c", subcore_axis_name="s",
                                  num_cores=1, num_subcores=NSUB)
    out = pl.kernel(
        functools.partial(_sparse_body, chunks=chunks, bz=float(bz)),
        out_type=jax.ShapeDtypeStruct((LANES,), jnp.float32),
        mesh=mesh,
        scratch_types=(
            pltpu.VMEM((chunks, 128), jnp.int32),
            pltpu.VMEM((chunks, 128), jnp.float32),
            pltpu.VMEM((chunks, 128), jnp.float32),
            pltpu.VMEM((CPAD,), jnp.float32),
            pltpu.VMEM((2, CPAD), jnp.float32),
            pltpu.VMEM((LANES,), jnp.float32),
            pltpu.VMEM_SHARED((CPAD,), jnp.float32),
            pltpu.VMEM_SHARED((CPAD,), jnp.float32),
        ),
        compiler_params=pltpu.CompilerParams(needs_layout_passes=False),
    )(target.astype(jnp.int32).reshape(128, 128), fcat)
    return out[0].reshape(())

# --- scband reference (transcript-rebuilt; emitter-appended) ---
"""Pipeline reference for scband-multi-class-focal-loss-with-alpha-687194768063 (READ-ONLY COPY).

The authoritative reference and input builder live on the scoring server;
editing this copy changes nothing except your own understanding.
"""

import jax, jax.numpy as jnp
import numpy as np

GAMMA = 2

def setup_inputs(seed: int = 0) -> dict:
    key = jax.random.key(seed)
    k1, k2 = jax.random.split(key)
    pred = jax.random.normal(k1, (16384, 1000), dtype=jnp.float32)
    target = jax.random.randint(k2, (16384,), 0, 1000, dtype=jnp.int64 if jax.config.jax_enable_x64 else jnp.int32)
    return {"pred": pred, "target": target}

def reference(pred, target):
    class_num = pred.shape[-1]
    bz = pred.shape[0]
    alpha = jnp.bincount(target, minlength=class_num, length=class_num)
    alpha = 1.0 - alpha.astype(pred.dtype) / bz
    alpha_t = alpha[target]
    log_softmax = jax.nn.log_softmax(pred, axis=1)
    logpt = jnp.take_along_axis(log_softmax, target.reshape(-1, 1), axis=1)
    logpt = logpt.reshape(-1)
    ce_loss = -logpt
    pt = jnp.exp(logpt)
    focal_loss = alpha_t * (1.0 - pt) ** GAMMA * ce_loss
    return jnp.mean(focal_loss)

if __name__ == "__main__":
    import jax
    _d = setup_inputs()
    print(jax.jit(kernel)(*tuple(_d.values())))

</pallas_src>

<mosaic_0001>
#map = affine_map<(d0, d1) -> (0, 0)>
#map1 = affine_map<(d0, d1) -> (0)>
module attributes {stable_mosaic.version = 14 : i64} {
  func.func @_sparse_body(%arg0: i32, %arg1: i32, %arg2: memref<128x128xi32, #tpu.memory_space<hbm>>, %arg3: memref<128x128xf32, #tpu.memory_space<hbm>>, %arg4: memref<16xf32, #tpu.memory_space<hbm>>, %arg5: memref<8x128xi32, #tpu.memory_space<vmem>>, %arg6: memref<8x128xf32, #tpu.memory_space<vmem>>, %arg7: memref<8x128xf32, #tpu.memory_space<vmem>>, %arg8: memref<1008xf32, #tpu.memory_space<vmem>>, %arg9: memref<2x1008xf32, #tpu.memory_space<vmem>>, %arg10: memref<16xf32, #tpu.memory_space<vmem>>, %arg11: memref<1008xf32, #tpu.memory_space<vmem_shared>>, %arg12: memref<1008xf32, #tpu.memory_space<vmem_shared>>) attributes {dimension_semantics = [#tpu.dimension_semantics<core_parallel>, #tpu.dimension_semantics<subcore_parallel>], iteration_bounds = array<i64: 1, 16>, scalar_prefetch = 0 : i64, scratch_operands = 8 : i64, tpu.core_type = #tpu.core_type<sc_vector_subcore>, window_params = [{transform_indices = #map}, {transform_indices = #map}, {transform_indices = #map1}]} {
    %mul3A = arith.constant 8 : i32
    %mul3A_0 = arith.muli %arg1, %mul3A : i32
    "tpu.region"() ({
      %run_scoped3A_674 = tpu.sem_alloc : memref<!tpu.dma_semaphore, #tpu.memory_space<semaphore_mem>>
      %dma_start3A = arith.constant 0 : i32
      %dma_start3A_675 = tpu.memref_slice %arg2[%mul3A_0, %dma_start3A] : memref<128x128xi32, #tpu.memory_space<hbm>> -> memref<8x128xi32, #tpu.memory_space<hbm>>
      %dma_start3A_676 = arith.constant 0 : i32
      %dma_start3A_677 = tpu.memref_slice %arg2[%mul3A_0, %dma_start3A_676] : memref<128x128xi32, #tpu.memory_space<hbm>> -> memref<8x128xi32, #tpu.memory_space<hbm>>
      tpu.enqueue_dma source(%dma_start3A_677 : memref<8x128xi32, #tpu.memory_space<hbm>>) target(%arg5 : memref<8x128xi32, #tpu.memory_space<vmem>>) target_semaphore(%run_scoped3A_674 : memref<!tpu.dma_semaphore, #tpu.memory_space<semaphore_mem>>)
      %dma_wait3A = arith.constant 0 : i32
      %dma_wait3A_678 = tpu.memref_slice %arg2[%mul3A_0, %dma_wait3A] : memref<128x128xi32, #tpu.memory_space<hbm>> -> memref<8x128xi32, #tpu.memory_space<hbm>>
      %dma_wait3A_679 = arith.constant 0 : i32
      %dma_wait3A_680 = tpu.memref_slice %arg2[%mul3A_0, %dma_wait3A_679] : memref<128x128xi32, #tpu.memory_space<hbm>> -> memref<8x128xi32, #tpu.memory_space<hbm>>
      tpu.wait_dma2 semaphore(%run_scoped3A_674 : memref<!tpu.dma_semaphore, #tpu.memory_space<semaphore_mem>>) src(%dma_wait3A_680 : memref<8x128xi32, #tpu.memory_space<hbm>>) dst(%arg5 : memref<8x128xi32, #tpu.memory_space<vmem>>)
      tpu.yield
    }) : () -> ()
    "tpu.region"() ({
      %run_scoped3A_674 = tpu.sem_alloc : memref<!tpu.dma_semaphore, #tpu.memory_space<semaphore_mem>>
      %dma_start3A = arith.constant 0 : i32
      %dma_start3A_675 = tpu.memref_slice %arg3[%mul3A_0, %dma_start3A] : memref<128x128xf32, #tpu.memory_space<hbm>> -> memref<8x128xf32, #tpu.memory_space<hbm>>
      %dma_start3A_676 = arith.constant 0 : i32
      %dma_start3A_677 = tpu.memref_slice %arg3[%mul3A_0, %dma_start3A_676] : memref<128x128xf32, #tpu.memory_space<hbm>> -> memref<8x128xf32, #tpu.memory_space<hbm>>
      tpu.enqueue_dma source(%dma_start3A_677 : memref<8x128xf32, #tpu.memory_space<hbm>>) target(%arg6 : memref<8x128xf32, #tpu.memory_space<vmem>>) target_semaphore(%run_scoped3A_674 : memref<!tpu.dma_semaphore, #tpu.memory_space<semaphore_mem>>)
      %dma_wait3A = arith.constant 0 : i32
      %dma_wait3A_678 = tpu.memref_slice %arg3[%mul3A_0, %dma_wait3A] : memref<128x128xf32, #tpu.memory_space<hbm>> -> memref<8x128xf32, #tpu.memory_space<hbm>>
      %dma_wait3A_679 = arith.constant 0 : i32
      %dma_wait3A_680 = tpu.memref_slice %arg3[%mul3A_0, %dma_wait3A_679] : memref<128x128xf32, #tpu.memory_space<hbm>> -> memref<8x128xf32, #tpu.memory_space<hbm>>
      tpu.wait_dma2 semaphore(%run_scoped3A_674 : memref<!tpu.dma_semaphore, #tpu.memory_space<semaphore_mem>>) src(%dma_wait3A_680 : memref<8x128xf32, #tpu.memory_space<hbm>>) dst(%arg6 : memref<8x128xf32, #tpu.memory_space<vmem>>)
      tpu.yield
    }) : () -> ()
    %broadcast_in_dim3A = arith.constant 1.000000e+00 : f32
    %broadcast_in_dim3A_1 = vector.broadcast %broadcast_in_dim3A : f32 to vector<16xf32>
    %swap3A = arith.constant 0 : i32
    %swap3A_2 = arith.index_cast %swap3A : i32 to index
    %swap3A_3 = arith.constant 0 : index
    %swap3A_4 = tpu.vector_load %arg7[%swap3A_2, %swap3A_3] {strides = array<i32>} : memref<8x128xf32, #tpu.memory_space<vmem>>, vector<16xf32>,
    tpu.vector_store %arg7[%swap3A_2, %swap3A_3], %broadcast_in_dim3A_1 {strides = array<i32>} : memref<8x128xf32, #tpu.memory_space<vmem>>, vector<16xf32>,
    %broadcast_in_dim3A_5 = arith.constant 1.000000e+00 : f32
    %broadcast_in_dim3A_6 = vector.broadcast %broadcast_in_dim3A_5 : f32 to vector<16xf32>
    %swap3A_7 = arith.constant 0 : i32
    %swap3A_8 = arith.index_cast %swap3A_7 : i32 to index
    %swap3A_9 = arith.constant 16 : index
    %swap3A_10 = tpu.vector_load %arg7[%swap3A_8, %swap3A_9] {strides = array<i32>} : memref<8x128xf32, #tpu.memory_space<vmem>>, vector<16xf32>,
    tpu.vector_store %arg7[%swap3A_8, %swap3A_9], %broadcast_in_dim3A_6 {strides = array<i32>} : memref<8x128xf32, #tpu.memory_space<vmem>>, vector<16xf32>,
    %broadcast_in_dim3A_11 = arith.constant 1.000000e+00 : f32
    %broadcast_in_dim3A_12 = vector.broadcast %broadcast_in_dim3A_11 : f32 to vector<16xf32>
    %swap3A_13 = arith.constant 0 : i32
    %swap3A_14 = arith.index_cast %swap3A_13 : i32 to index
    %swap3A_15 = arith.constant 32 : index
    %swap3A_16 = tpu.vector_load %arg7[%swap3A_14, %swap3A_15] {strides = array<i32>} : memref<8x128xf32, #tpu.memory_space<vmem>>, vector<16xf32>,
    tpu.vector_store %arg7[%swap3A_14, %swap3A_15], %broadcast_in_dim3A_12 {strides = array<i32>} : memref<8x128xf32, #tpu.memory_space<vmem>>, vector<16xf32>,
    %broadcast_in_dim3A_17 = arith.constant 1.000000e+00 : f32
    %broadcast_in_dim3A_18 = vector.broadcast %broadcast_in_dim3A_17 : f32 to vector<16xf32>
    %swap3A_19 = arith.constant 0 : i32
    %swap3A_20 = arith.index_cast %swap3A_19 : i32 to index
    %swap3A_21 = arith.constant 48 : index
    %swap3A_22 = tpu.vector_load %arg7[%swap3A_20, %swap3A_21] {strides = array<i32>} : memref<8x128xf32, #tpu.memory_space<vmem>>, vector<16xf32>,
    tpu.vector_store %arg7[%swap3A_20, %swap3A_21], %broadcast_in_dim3A_18 {strides = array<i32>} : memref<8x128xf32, #tpu.memory_space<vmem>>, vector<16xf32>,
    %broadcast_in_dim3A_23 = arith.constant 1.000000e+00 : f32
    %broadcast_in_dim3A_24 = vector.broadcast %broadcast_in_dim3A_23 : f32 to vector<16xf32>
    %swap3A_25 = arith.constant 0 : i32
    %swap3A_26 = arith.index_cast %swap3A_25 : i32 to index
    %swap3A_27 = arith.constant 64 : index
    %swap3A_28 = tpu.vector_load %arg7[%swap3A_26, %swap3A_27] {strides = array<i32>} : memref<8x128xf32, #tpu.memory_space<vmem>>, vector<16xf32>,
    tpu.vector_store %arg7[%swap3A_26, %swap3A_27], %broadcast_in_dim3A_24 {strides = array<i32>} : memref<8x128xf32, #tpu.memory_space<vmem>>, vector<16xf32>,
    %broadcast_in_dim3A_29 = arith.constant 1.000000e+00 : f32
    %broadcast_in_dim3A_30 = vector.broadcast %broadcast_in_dim3A_29 : f32 to vector<16xf32>
    %swap3A_31 = arith.constant 0 : i32
    %swap3A_32 = arith.index_cast %swap3A_31 : i32 to index
    %swap3A_33 = arith.constant 80 : index
    %swap3A_34 = tpu.vector_load %arg7[%swap3A_32, %swap3A_33] {strides = array<i32>} : memref<8x128xf32, #tpu.memory_space<vmem>>, vector<16xf32>,
    tpu.vector_store %arg7[%swap3A_32, %swap3A_33], %broadcast_in_dim3A_30 {strides = array<i32>} : memref<8x128xf32, #tpu.memory_space<vmem>>, vector<16xf32>,
    %broadcast_in_dim3A_35 = arith.constant 1.000000e+00 : f32
    %broadcast_in_dim3A_36 = vector.broadcast %broadcast_in_dim3A_35 : f32 to vector<16xf32>
    %swap3A_37 = arith.constant 0 : i32
    %swap3A_38 = arith.index_cast %swap3A_37 : i32 to index
    %swap3A_39 = arith.constant 96 : index
    %swap3A_40 = tpu.vector_load %arg7[%swap3A_38, %swap3A_39] {strides = array<i32>} : memref<8x128xf32, #tpu.memory_space<vmem>>, vector<16xf32>,
    tpu.vector_store %arg7[%swap3A_38, %swap3A_39], %broadcast_in_dim3A_36 {strides = array<i32>} : memref<8x128xf32, #tpu.memory_space<vmem>>, vector<16xf32>,
    %broadcast_in_dim3A_41 = arith.constant 1.000000e+00 : f32
    %broadcast_in_dim3A_42 = vector.broadcast %broadcast_in_dim3A_41 : f32 to vector<16xf32>
    %swap3A_43 = arith.constant 0 : i32
    %swap3A_44 = arith.index_cast %swap3A_43 : i32 to index
    %swap3A_45 = arith.constant 112 : index
    %swap3A_46 = tpu.vector_load %arg7[%swap3A_44, %swap3A_45] {strides = array<i32>} : memref<8x128xf32, #tpu.memory_space<vmem>>, vector<16xf32>,
    tpu.vector_store %arg7[%swap3A_44, %swap3A_45], %broadcast_in_dim3A_42 {strides = array<i32>} : memref<8x128xf32, #tpu.memory_space<vmem>>, vector<16xf32>,
    %broadcast_in_dim3A_47 = arith.constant 1.000000e+00 : f32
    %broadcast_in_dim3A_48 = vector.broadcast %broadcast_in_dim3A_47 : f32 to vector<16xf32>
    %swap3A_49 = arith.constant 1 : i32
    %swap3A_50 = arith.index_cast %swap3A_49 : i32 to index
    %swap3A_51 = arith.constant 0 : index
    %swap3A_52 = tpu.vector_load %arg7[%swap3A_50, %swap3A_51] {strides = array<i32>} : memref<8x128xf32, #tpu.memory_space<vmem>>, vector<16xf32>,
    tpu.vector_store %arg7[%swap3A_50, %swap3A_51], %broadcast_in_dim3A_48 {strides = array<i32>} : memref<8x128xf32, #tpu.memory_space<vmem>>, vector<16xf32>,
    %broadcast_in_dim3A_53 = arith.constant 1.000000e+00 : f32
    %broadcast_in_dim3A_54 = vector.broadcast %broadcast_in_dim3A_53 : f32 to vector<16xf32>
    %swap3A_55 = arith.constant 1 : i32
    %swap3A_56 = arith.index_cast %swap3A_55 : i32 to index
    %swap3A_57 = arith.constant 16 : index
    %swap3A_58 = tpu.vector_load %arg7[%swap3A_56, %swap3A_57] {strides = array<i32>} : memref<8x128xf32, #tpu.memory_space<vmem>>, vector<16xf32>,
    tpu.vector_store %arg7[%swap3A_56, %swap3A_57], %broadcast_in_dim3A_54 {strides = array<i32>} : memref<8x128xf32, #tpu.memory_space<vmem>>, vector<16xf32>,
    %broadcast_in_dim3A_59 = arith.constant 1.000000e+00 : f32
    %broadcast_in_dim3A_60 = vector.broadcast %broadcast_in_dim3A_59 : f32 to vector<16xf32>
    %swap3A_61 = arith.constant 1 : i32
    %swap3A_62 = arith.index_cast %swap3A_61 : i32 to index
    %swap3A_63 = arith.constant 32 : index
    %swap3A_64 = tpu.vector_load %arg7[%swap3A_62, %swap3A_63] {strides = array<i32>} : memref<8x128xf32, #tpu.memory_space<vmem>>, vector<16xf32>,
    tpu.vector_store %arg7[%swap3A_62, %swap3A_63], %broadcast_in_dim3A_60 {strides = array<i32>} : memref<8x128xf32, #tpu.memory_space<vmem>>, vector<16xf32>,
    %broadcast_in_dim3A_65 = arith.constant 1.000000e+00 : f32
    %broadcast_in_dim3A_66 = vector.broadcast %broadcast_in_dim3A_65 : f32 to vector<16xf32>
    %swap3A_67 = arith.constant 1 : i32
    %swap3A_68 = arith.index_cast %swap3A_67 : i32 to index
    %swap3A_69 = arith.constant 48 : index
    %swap3A_70 = tpu.vector_load %arg7[%swap3A_68, %swap3A_69] {strides = array<i32>} : memref<8x128xf32, #tpu.memory_space<vmem>>, vector<16xf32>,
    tpu.vector_store %arg7[%swap3A_68, %swap3A_69], %broadcast_in_dim3A_66 {strides = array<i32>} : memref<8x128xf32, #tpu.memory_space<vmem>>, vector<16xf32>,
    %broadcast_in_dim3A_71 = arith.constant 1.000000e+00 : f32
    %broadcast_in_dim3A_72 = vector.broadcast %broadcast_in_dim3A_71 : f32 to vector<16xf32>
    %swap3A_73 = arith.constant 1 : i32
    %swap3A_74 = arith.index_cast %swap3A_73 : i32 to index
    %swap3A_75 = arith.constant 64 : index
    %swap3A_76 = tpu.vector_load %arg7[%swap3A_74, %swap3A_75] {strides = array<i32>} : memref<8x128xf32, #tpu.memory_space<vmem>>, vector<16xf32>,
    tpu.vector_store %arg7[%swap3A_74, %swap3A_75], %broadcast_in_dim3A_72 {strides = array<i32>} : memref<8x128xf32, #tpu.memory_space<vmem>>, vector<16xf32>,
    %broadcast_in_dim3A_77 = arith.constant 1.000000e+00 : f32
    %broadcast_in_dim3A_78 = vector.broadcast %broadcast_in_dim3A_77 : f32 to vector<16xf32>
    %swap3A_79 = arith.constant 1 : i32
    %swap3A_80 = arith.index_cast %swap3A_79 : i32 to index
    %swap3A_81 = arith.constant 80 : index
    %swap3A_82 = tpu.vector_load %arg7[%swap3A_80, %swap3A_81] {strides = array<i32>} : memref<8x128xf32, #tpu.memory_space<vmem>>, vector<16xf32>,
    tpu.vector_store %arg7[%swap3A_80, %swap3A_81], %broadcast_in_dim3A_78 {strides = array<i32>} : memref<8x128xf32, #tpu.memory_space<vmem>>, vector<16xf32>,
    %broadcast_in_dim3A_83 = arith.constant 1.000000e+00 : f32
    %broadcast_in_dim3A_84 = vector.broadcast %broadcast_in_dim3A_83 : f32 to vector<16xf32>
    %swap3A_85 = arith.constant 1 : i32
    %swap3A_86 = arith.index_cast %swap3A_85 : i32 to index
    %swap3A_87 = arith.constant 96 : index
    %swap3A_88 = tpu.vector_load %arg7[%swap3A_86, %swap3A_87] {strides = array<i32>} : memref<8x128xf32, #tpu.memory_space<vmem>>, vector<16xf32>,
    tpu.vector_store %arg7[%swap3A_86, %swap3A_87], %broadcast_in_dim3A_84 {strides = array<i32>} : memref<8x128xf32, #tpu.memory_space<vmem>>, vector<16xf32>,
    %broadcast_in_dim3A_89 = arith.constant 1.000000e+00 : f32
    %broadcast_in_dim3A_90 = vector.broadcast %broadcast_in_dim3A_89 : f32 to vector<16xf32>
    %swap3A_91 = arith.constant 1 : i32
    %swap3A_92 = arith.index_cast %swap3A_91 : i32 to index
    %swap3A_93 = arith.constant 112 : index
    %swap3A_94 = tpu.vector_load %arg7[%swap3A_92, %swap3A_93] {strides = array<i32>} : memref<8x128xf32, #tpu.memory_space<vmem>>, vector<16xf32>,
    tpu.vector_store %arg7[%swap3A_92, %swap3A_93], %broadcast_in_dim3A_90 {strides = array<i32>} : memref<8x128xf32, #tpu.memory_space<vmem>>, vector<16xf32>,
    %broadcast_in_dim3A_95 = arith.constant 1.000000e+00 : f32
    %broadcast_in_dim3A_96 = vector.broadcast %broadcast_in_dim3A_95 : f32 to vector<16xf32>
    %swap3A_97 = arith.constant 2 : i32
    %swap3A_98 = arith.index_cast %swap3A_97 : i32 to index
    %swap3A_99 = arith.constant 0 : index
    %swap3A_100 = tpu.vector_load %arg7[%swap3A_98, %swap3A_99] {strides = array<i32>} : memref<8x128xf32, #tpu.memory_space<vmem>>, vector<16xf32>,
    tpu.vector_store %arg7[%swap3A_98, %swap3A_99], %broadcast_in_dim3A_96 {strides = array<i32>} : memref<8x128xf32, #tpu.memory_space<vmem>>, vector<16xf32>,
    %broadcast_in_dim3A_101 = arith.constant 1.000000e+00 : f32
    %broadcast_in_dim3A_102 = vector.broadcast %broadcast_in_dim3A_101 : f32 to vector<16xf32>
    %swap3A_103 = arith.constant 2 : i32
    %swap3A_104 = arith.index_cast %swap3A_103 : i32 to index
    %swap3A_105 = arith.constant 16 : index
    %swap3A_106 = tpu.vector_load %arg7[%swap3A_104, %swap3A_105] {strides = array<i32>} : memref<8x128xf32, #tpu.memory_space<vmem>>, vector<16xf32>,
    tpu.vector_store %arg7[%swap3A_104, %swap3A_105], %broadcast_in_dim3A_102 {strides = array<i32>} : memref<8x128xf32, #tpu.memory_space<vmem>>, vector<16xf32>,
    %broadcast_in_dim3A_107 = arith.constant 1.000000e+00 : f32
    %broadcast_in_dim3A_108 = vector.broadcast %broadcast_in_dim3A_107 : f32 to vector<16xf32>
    %swap3A_109 = arith.constant 2 : i32
    %swap3A_110 = arith.index_cast %swap3A_109 : i32 to index
    %swap3A_111 = arith.constant 32 : index
    %swap3A_112 = tpu.vector_load %arg7[%swap3A_110, %swap3A_111] {strides = array<i32>} : memref<8x128xf32, #tpu.memory_space<vmem>>, vector<16xf32>,
    tpu.vector_store %arg7[%swap3A_110, %swap3A_111], %broadcast_in_dim3A_108 {strides = array<i32>} : memref<8x128xf32, #tpu.memory_space<vmem>>, vector<16xf32>,
    %broadcast_in_dim3A_113 = arith.constant 1.000000e+00 : f32
    %broadcast_in_dim3A_114 = vector.broadcast %broadcast_in_dim3A_113 : f32 to vector<16xf32>
    %swap3A_115 = arith.constant 2 : i32
    %swap3A_116 = arith.index_cast %swap3A_115 : i32 to index
    %swap3A_117 = arith.constant 48 : index
    %swap3A_118 = tpu.vector_load %arg7[%swap3A_116, %swap3A_117] {strides = array<i32>} : memref<8x128xf32, #tpu.memory_space<vmem>>, vector<16xf32>,
    tpu.vector_store %arg7[%swap3A_116, %swap3A_117], %broadcast_in_dim3A_114 {strides = array<i32>} : memref<8x128xf32, #tpu.memory_space<vmem>>, vector<16xf32>,
    %broadcast_in_dim3A_119 = arith.constant 1.000000e+00 : f32
    %broadcast_in_dim3A_120 = vector.broadcast %broadcast_in_dim3A_119 : f32 to vector<16xf32>
    %swap3A_121 = arith.constant 2 : i32
    %swap3A_122 = arith.index_cast %swap3A_121 : i32 to index
    %swap3A_123 = arith.constant 64 : index
    %swap3A_124 = tpu.vector_load %arg7[%swap3A_122, %swap3A_123] {strides = array<i32>} : memref<8x128xf32, #tpu.memory_space<vmem>>, vector<16xf32>,
    tpu.vector_store %arg7[%swap3A_122, %swap3A_123], %broadcast_in_dim3A_120 {strides = array<i32>} : memref<8x128xf32, #tpu.memory_space<vmem>>, vector<16xf32>,
    %broadcast_in_dim3A_125 = arith.constant 1.000000e+00 : f32
    %broadcast_in_dim3A_126 = vector.broadcast %broadcast_in_dim3A_125 : f32 to vector<16xf32>
    %swap3A_127 = arith.constant 2 : i32
    %swap3A_128 = arith.index_cast %swap3A_127 : i32 to index
    %swap3A_129 = arith.constant 80 : index
    %swap3A_130 = tpu.vector_load %arg7[%swap3A_128, %swap3A_129] {strides = array<i32>} : memref<8x128xf32, #tpu.memory_space<vmem>>, vector<16xf32>,
    tpu.vector_store %arg7[%swap3A_128, %swap3A_129], %broadcast_in_dim3A_126 {strides = array<i32>} : memref<8x128xf32, #tpu.memory_space<vmem>>, vector<16xf32>,
    %broadcast_in_dim3A_131 = arith.constant 1.000000e+00 : f32
    %broadcast_in_dim3A_132 = vector.broadcast %broadcast_in_dim3A_131 : f32 to vector<16xf32>
    %swap3A_133 = arith.constant 2 : i32
    %swap3A_134 = arith.index_cast %swap3A_133 : i32 to index
    %swap3A_135 = arith.constant 96 : index
    %swap3A_136 = tpu.vector_load %arg7[%swap3A_134, %swap3A_135] {strides = array<i32>} : memref<8x128xf32, #tpu.memory_space<vmem>>, vector<16xf32>,
    tpu.vector_store %arg7[%swap3A_134, %swap3A_135], %broadcast_in_dim3A_132 {strides = array<i32>} : memref<8x128xf32, #tpu.memory_space<vmem>>, vector<16xf32>,
    %broadcast_in_dim3A_137 = arith.constant 1.000000e+00 : f32
    %broadcast_in_dim3A_138 = vector.broadcast %broadcast_in_dim3A_137 : f32 to vector<16xf32>
    %swap3A_139 = arith.constant 2 : i32
    %swap3A_140 = arith.index_cast %swap3A_139 : i32 to index
    %swap3A_141 = arith.constant 112 : index
    %swap3A_142 = tpu.vector_load %arg7[%swap3A_140, %swap3A_141] {strides = array<i32>} : memref<8x128xf32, #tpu.memory_space<vmem>>, vector<16xf32>,
    tpu.vector_store %arg7[%swap3A_140, %swap3A_141], %broadcast_in_dim3A_138 {strides = array<i32>} : memref<8x128xf32, #tpu.memory_space<vmem>>, vector<16xf32>,
    %broadcast_in_dim3A_143 = arith.constant 1.000000e+00 : f32
    %broadcast_in_dim3A_144 = vector.broadcast %broadcast_in_dim3A_143 : f32 to vector<16xf32>
    %swap3A_145 = arith.constant 3 : i32
    %swap3A_146 = arith.index_cast %swap3A_145 : i32 to index
    %swap3A_147 = arith.constant 0 : index
    %swap3A_148 = tpu.vector_load %arg7[%swap3A_146, %swap3A_147] {strides = array<i32>} : memref<8x128xf32, #tpu.memory_space<vmem>>, vector<16xf32>,
    tpu.vector_store %arg7[%swap3A_146, %swap3A_147], %broadcast_in_dim3A_144 {strides = array<i32>} : memref<8x128xf32, #tpu.memory_space<vmem>>, vector<16xf32>,
    %broadcast_in_dim3A_149 = arith.constant 1.000000e+00 : f32
    %broadcast_in_dim3A_150 = vector.broadcast %broadcast_in_dim3A_149 : f32 to vector<16xf32>
    %swap3A_151 = arith.constant 3 : i32
    %swap3A_152 = arith.index_cast %swap3A_151 : i32 to index
    %swap3A_153 = arith.constant 16 : index
    %swap3A_154 = tpu.vector_load %arg7[%swap3A_152, %swap3A_153] {strides = array<i32>} : memref<8x128xf32, #tpu.memory_space<vmem>>, vector<16xf32>,
    tpu.vector_store %arg7[%swap3A_152, %swap3A_153], %broadcast_in_dim3A_150 {strides = array<i32>} : memref<8x128xf32, #tpu.memory_space<vmem>>, vector<16xf32>,
    %broadcast_in_dim3A_155 = arith.constant 1.000000e+00 : f32
    %broadcast_in_dim3A_156 = vector.broadcast %broadcast_in_dim3A_155 : f32 to vector<16xf32>
    %swap3A_157 = arith.constant 3 : i32
    %swap3A_158 = arith.index_cast %swap3A_157 : i32 to index
    %swap3A_159 = arith.constant 32 : index
    %swap3A_160 = tpu.vector_load %arg7[%swap3A_158, %swap3A_159] {strides = array<i32>} : memref<8x128xf32, #tpu.memory_space<vmem>>, vector<16xf32>,
    tpu.vector_store %arg7[%swap3A_158, %swap3A_159], %broadcast_in_dim3A_156 {strides = array<i32>} : memref<8x128xf32, #tpu.memory_space<vmem>>, vector<16xf32>,
    %broadcast_in_dim3A_161 = arith.constant 1.000000e+00 : f32
    %broadcast_in_dim3A_162 = vector.broadcast %broadcast_in_dim3A_161 : f32 to vector<16xf32>
    %swap3A_163 = arith.constant 3 : i32
    %swap3A_164 = arith.index_cast %swap3A_163 : i32 to index
    %swap3A_165 = arith.constant 48 : index
    %swap3A_166 = tpu.vector_load %arg7[%swap3A_164, %swap3A_165] {strides = array<i32>} : memref<8x128xf32, #tpu.memory_space<vmem>>, vector<16xf32>,
    tpu.vector_store %arg7[%swap3A_164, %swap3A_165], %broadcast_in_dim3A_162 {strides = array<i32>} : memref<8x128xf32, #tpu.memory_space<vmem>>, vector<16xf32>,
    %broadcast_in_dim3A_167 = arith.constant 1.000000e+00 : f32
    %broadcast_in_dim3A_168 = vector.broadcast %broadcast_in_dim3A_167 : f32 to vector<16xf32>
    %swap3A_169 = arith.constant 3 : i32
    %swap3A_170 = arith.index_cast %swap3A_169 : i32 to index
    %swap3A_171 = arith.constant 64 : index
    %swap3A_172 = tpu.vector_load %arg7[%swap3A_170, %swap3A_171] {strides = array<i32>} : memref<8x128xf32, #tpu.memory_space<vmem>>, vector<16xf32>,
    tpu.vector_store %arg7[%swap3A_170, %swap3A_171], %broadcast_in_dim3A_168 {strides = array<i32>} : memref<8x128xf32, #tpu.memory_space<vmem>>, vector<16xf32>,
    %broadcast_in_dim3A_173 = arith.constant 1.000000e+00 : f32
    %broadcast_in_dim3A_174 = vector.broadcast %broadcast_in_dim3A_173 : f32 to vector<16xf32>
    %swap3A_175 = arith.constant 3 : i32
    %swap3A_176 = arith.index_cast %swap3A_175 : i32 to index
    %swap3A_177 = arith.constant 80 : index
    %swap3A_178 = tpu.vector_load %arg7[%swap3A_176, %swap3A_177] {strides = array<i32>} : memref<8x128xf32, #tpu.memory_space<vmem>>, vector<16xf32>,
    tpu.vector_store %arg7[%swap3A_176, %swap3A_177], %broadcast_in_dim3A_174 {strides = array<i32>} : memref<8x128xf32, #tpu.memory_space<vmem>>, vector<16xf32>,
    %broadcast_in_dim3A_179 = arith.constant 1.000000e+00 : f32
    %broadcast_in_dim3A_180 = vector.broadcast %broadcast_in_dim3A_179 : f32 to vector<16xf32>
    %swap3A_181 = arith.constant 3 : i32
    %swap3A_182 = arith.index_cast %swap3A_181 : i32 to index
    %swap3A_183 = arith.constant 96 : index
    %swap3A_184 = tpu.vector_load %arg7[%swap3A_182, %swap3A_183] {strides = array<i32>} : memref<8x128xf32, #tpu.memory_space<vmem>>, vector<16xf32>,
    tpu.vector_store %arg7[%swap3A_182, %swap3A_183], %broadcast_in_dim3A_180 {strides = array<i32>} : memref<8x128xf32, #tpu.memory_space<vmem>>, vector<16xf32>,
    %broadcast_in_dim3A_185 = arith.constant 1.000000e+00 : f32
    %broadcast_in_dim3A_186 = vector.broadcast %broadcast_in_dim3A_185 : f32 to vector<16xf32>
    %swap3A_187 = arith.constant 3 : i32
    %swap3A_188 = arith.index_cast %swap3A_187 : i32 to index
    %swap3A_189 = arith.constant 112 : index
    %swap3A_190 = tpu.vector_load %arg7[%swap3A_188, %swap3A_189] {strides = array<i32>} : memref<8x128xf32, #tpu.memory_space<vmem>>, vector<16xf32>,
    tpu.vector_store %arg7[%swap3A_188, %swap3A_189], %broadcast_in_dim3A_186 {strides = array<i32>} : memref<8x128xf32, #tpu.memory_space<vmem>>, vector<16xf32>,
    %broadcast_in_dim3A_191 = arith.constant 1.000000e+00 : f32
    %broadcast_in_dim3A_192 = vector.broadcast %broadcast_in_dim3A_191 : f32 to vector<16xf32>
    %swap3A_193 = arith.constant 4 : i32
    %swap3A_194 = arith.index_cast %swap3A_193 : i32 to index
    %swap3A_195 = arith.constant 0 : index
    %swap3A_196 = tpu.vector_load %arg7[%swap3A_194, %swap3A_195] {strides = array<i32>} : memref<8x128xf32, #tpu.memory_space<vmem>>, vector<16xf32>,
    tpu.vector_store %arg7[%swap3A_194, %swap3A_195], %broadcast_in_dim3A_192 {strides = array<i32>} : memref<8x128xf32, #tpu.memory_space<vmem>>, vector<16xf32>,
    %broadcast_in_dim3A_197 = arith.constant 1.000000e+00 : f32
    %broadcast_in_dim3A_198 = vector.broadcast %broadcast_in_dim3A_197 : f32 to vector<16xf32>
    %swap3A_199 = arith.constant 4 : i32
    %swap3A_200 = arith.index_cast %swap3A_199 : i32 to index
    %swap3A_201 = arith.constant 16 : index
    %swap3A_202 = tpu.vector_load %arg7[%swap3A_200, %swap3A_201] {strides = array<i32>} : memref<8x128xf32, #tpu.memory_space<vmem>>, vector<16xf32>,
    tpu.vector_store %arg7[%swap3A_200, %swap3A_201], %broadcast_in_dim3A_198 {strides = array<i32>} : memref<8x128xf32, #tpu.memory_space<vmem>>, vector<16xf32>,
    %broadcast_in_dim3A_203 = arith.constant 1.000000e+00 : f32
    %broadcast_in_dim3A_204 = vector.broadcast %broadcast_in_dim3A_203 : f32 to vector<16xf32>
    %swap3A_205 = arith.constant 4 : i32
    %swap3A_206 = arith.index_cast %swap3A_205 : i32 to index
    %swap3A_207 = arith.constant 32 : index
    %swap3A_208 = tpu.vector_load %arg7[%swap3A_206, %swap3A_207] {strides = array<i32>} : memref<8x128xf32, #tpu.memory_space<vmem>>, vector<16xf32>,
    tpu.vector_store %arg7[%swap3A_206, %swap3A_207], %broadcast_in_dim3A_204 {strides = array<i32>} : memref<8x128xf32, #tpu.memory_space<vmem>>, vector<16xf32>,
    %broadcast_in_dim3A_209 = arith.constant 1.000000e+00 : f32
    %broadcast_in_dim3A_210 = vector.broadcast %broadcast_in_dim3A_209 : f32 to vector<16xf32>
    %swap3A_211 = arith.constant 4 : i32
    %swap3A_212 = arith.index_cast %swap3A_211 : i32 to index
    %swap3A_213 = arith.constant 48 : index
    %swap3A_214 = tpu.vector_load %arg7[%swap3A_212, %swap3A_213] {strides = array<i32>} : memref<8x128xf32, #tpu.memory_space<vmem>>, vector<16xf32>,
    tpu.vector_store %arg7[%swap3A_212, %swap3A_213], %broadcast_in_dim3A_210 {strides = array<i32>} : memref<8x128xf32, #tpu.memory_space<vmem>>, vector<16xf32>,
    %broadcast_in_dim3A_215 = arith.constant 1.000000e+00 : f32
    %broadcast_in_dim3A_216 = vector.broadcast %broadcast_in_dim3A_215 : f32 to vector<16xf32>
    %swap3A_217 = arith.constant 4 : i32
    %swap3A_218 = arith.index_cast %swap3A_217 : i32 to index
    %swap3A_219 = arith.constant 64 : index
    %swap3A_220 = tpu.vector_load %arg7[%swap3A_218, %swap3A_219] {strides = array<i32>} : memref<8x128xf32, #tpu.memory_space<vmem>>, vector<16xf32>,
    tpu.vector_store %arg7[%swap3A_218, %swap3A_219], %broadcast_in_dim3A_216 {strides = array<i32>} : memref<8x128xf32, #tpu.memory_space<vmem>>, vector<16xf32>,
    %broadcast_in_dim3A_221 = arith.constant 1.000000e+00 : f32
    %broadcast_in_dim3A_222 = vector.broadcast %broadcast_in_dim3A_221 : f32 to vector<16xf32>
    %swap3A_223 = arith.constant 4 : i32
    %swap3A_224 = arith.index_cast %swap3A_223 : i32 to index
    %swap3A_225 = arith.constant 80 : index
    %swap3A_226 = tpu.vector_load %arg7[%swap3A_224, %swap3A_225] {strides = array<i32>} : memref<8x128xf32, #tpu.memory_space<vmem>>, vector<16xf32>,
    tpu.vector_store %arg7[%swap3A_224, %swap3A_225], %broadcast_in_dim3A_222 {strides = array<i32>} : memref<8x128xf32, #tpu.memory_space<vmem>>, vector<16xf32>,
    %broadcast_in_dim3A_227 = arith.constant 1.000000e+00 : f32
    %broadcast_in_dim3A_228 = vector.broadcast %broadcast_in_dim3A_227 : f32 to vector<16xf32>
    %swap3A_229 = arith.constant 4 : i32
    %swap3A_230 = arith.index_cast %swap3A_229 : i32 to index
    %swap3A_231 = arith.constant 96 : index
    %swap3A_232 = tpu.vector_load %arg7[%swap3A_230, %swap3A_231] {strides = array<i32>} : memref<8x128xf32, #tpu.memory_space<vmem>>, vector<16xf32>,
    tpu.vector_store %arg7[%swap3A_230, %swap3A_231], %broadcast_in_dim3A_228 {strides = array<i32>} : memref<8x128xf32, #tpu.memory_space<vmem>>, vector<16xf32>,
    %broadcast_in_dim3A_233 = arith.constant 1.000000e+00 : f32
    %broadcast_in_dim3A_234 = vector.broadcast %broadcast_in_dim3A_233 : f32 to vector<16xf32>
    %swap3A_235 = arith.constant 4 : i32
    %swap3A_236 = arith.index_cast %swap3A_235 : i32 to index
    %swap3A_237 = arith.constant 112 : index
    %swap3A_238 = tpu.vector_load %arg7[%swap3A_236, %swap3A_237] {strides = array<i32>} : memref<8x128xf32, #tpu.memory_space<vmem>>, vector<16xf32>,
    tpu.vector_store %arg7[%swap3A_236, %swap3A_237], %broadcast_in_dim3A_234 {strides = array<i32>} : memref<8x128xf32, #tpu.memory_space<vmem>>, vector<16xf32>,
    %broadcast_in_dim3A_239 = arith.constant 1.000000e+00 : f32
    %broadcast_in_dim3A_240 = vector.broadcast %broadcast_in_dim3A_239 : f32 to vector<16xf32>
    %swap3A_241 = arith.constant 5 : i32
    %swap3A_242 = arith.index_cast %swap3A_241 : i32 to index
    %swap3A_243 = arith.constant 0 : index
    %swap3A_244 = tpu.vector_load %arg7[%swap3A_242, %swap3A_243] {strides = array<i32>} : memref<8x128xf32, #tpu.memory_space<vmem>>, vector<16xf32>,
    tpu.vector_store %arg7[%swap3A_242, %swap3A_243], %broadcast_in_dim3A_240 {strides = array<i32>} : memref<8x128xf32, #tpu.memory_space<vmem>>, vector<16xf32>,
    %broadcast_in_dim3A_245 = arith.constant 1.000000e+00 : f32
    %broadcast_in_dim3A_246 = vector.broadcast %broadcast_in_dim3A_245 : f32 to vector<16xf32>
    %swap3A_247 = arith.constant 5 : i32
    %swap3A_248 = arith.index_cast %swap3A_247 : i32 to index
    %swap3A_249 = arith.constant 16 : index
    %swap3A_250 = tpu.vector_load %arg7[%swap3A_248, %swap3A_249] {strides = array<i32>} : memref<8x128xf32, #tpu.memory_space<vmem>>, vector<16xf32>,
    tpu.vector_store %arg7[%swap3A_248, %swap3A_249], %broadcast_in_dim3A_246 {strides = array<i32>} : memref<8x128xf32, #tpu.memory_space<vmem>>, vector<16xf32>,
    %broadcast_in_dim3A_251 = arith.constant 1.000000e+00 : f32
    %broadcast_in_dim3A_252 = vector.broadcast %broadcast_in_dim3A_251 : f32 to vector<16xf32>
    %swap3A_253 = arith.constant 5 : i32
    %swap3A_254 = arith.index_cast %swap3A_253 : i32 to index
    %swap3A_255 = arith.constant 32 : index
    %swap3A_256 = tpu.vector_load %arg7[%swap3A_254, %swap3A_255] {strides = array<i32>} : memref<8x128xf32, #tpu.memory_space<vmem>>, vector<16xf32>,
    tpu.vector_store %arg7[%swap3A_254, %swap3A_255], %broadcast_in_dim3A_252 {strides = array<i32>} : memref<8x128xf32, #tpu.memory_space<vmem>>, vector<16xf32>,
    %broadcast_in_dim3A_257 = arith.constant 1.000000e+00 : f32
    %broadcast_in_dim3A_258 = vector.broadcast %broadcast_in_dim3A_257 : f32 to vector<16xf32>
    %swap3A_259 = arith.constant 5 : i32
    %swap3A_260 = arith.index_cast %swap3A_259 : i32 to index
    %swap3A_261 = arith.constant 48 : index
    %swap3A_262 = tpu.vector_load %arg7[%swap3A_260, %swap3A_261] {strides = array<i32>} : memref<8x128xf32, #tpu.memory_space<vmem>>, vector<16xf32>,
    tpu.vector_store %arg7[%swap3A_260, %swap3A_261], %broadcast_in_dim3A_258 {strides = array<i32>} : memref<8x128xf32, #tpu.memory_space<vmem>>, vector<16xf32>,
    %broadcast_in_dim3A_263 = arith.constant 1.000000e+00 : f32
    %broadcast_in_dim3A_264 = vector.broadcast %broadcast_in_dim3A_263 : f32 to vector<16xf32>
    %swap3A_265 = arith.constant 5 : i32
    %swap3A_266 = arith.index_cast %swap3A_265 : i32 to index
    %swap3A_267 = arith.constant 64 : index
    %swap3A_268 = tpu.vector_load %arg7[%swap3A_266, %swap3A_267] {strides = array<i32>} : memref<8x128xf32, #tpu.memory_space<vmem>>, vector<16xf32>,
    tpu.vector_store %arg7[%swap3A_266, %swap3A_267], %broadcast_in_dim3A_264 {strides = array<i32>} : memref<8x128xf32, #tpu.memory_space<vmem>>, vector<16xf32>,
    %broadcast_in_dim3A_269 = arith.constant 1.000000e+00 : f32
    %broadcast_in_dim3A_270 = vector.broadcast %broadcast_in_dim3A_269 : f32 to vector<16xf32>
    %swap3A_271 = arith.constant 5 : i32
    %swap3A_272 = arith.index_cast %swap3A_271 : i32 to index
    %swap3A_273 = arith.constant 80 : index
    %swap3A_274 = tpu.vector_load %arg7[%swap3A_272, %swap3A_273] {strides = array<i32>} : memref<8x128xf32, #tpu.memory_space<vmem>>, vector<16xf32>,
    tpu.vector_store %arg7[%swap3A_272, %swap3A_273], %broadcast_in_dim3A_270 {strides = array<i32>} : memref<8x128xf32, #tpu.memory_space<vmem>>, vector<16xf32>,
    %broadcast_in_dim3A_275 = arith.constant 1.000000e+00 : f32
    %broadcast_in_dim3A_276 = vector.broadcast %broadcast_in_dim3A_275 : f32 to vector<16xf32>
    %swap3A_277 = arith.constant 5 : i32
    %swap3A_278 = arith.index_cast %swap3A_277 : i32 to index
    %swap3A_279 = arith.constant 96 : index
    %swap3A_280 = tpu.vector_load %arg7[%swap3A_278, %swap3A_279] {strides = array<i32>} : memref<8x128xf32, #tpu.memory_space<vmem>>, vector<16xf32>,
    tpu.vector_store %arg7[%swap3A_278, %swap3A_279], %broadcast_in_dim3A_276 {strides = array<i32>} : memref<8x128xf32, #tpu.memory_space<vmem>>, vector<16xf32>,
    %broadcast_in_dim3A_281 = arith.constant 1.000000e+00 : f32
    %broadcast_in_dim3A_282 = vector.broadcast %broadcast_in_dim3A_281 : f32 to vector<16xf32>
    %swap3A_283 = arith.constant 5 : i32
    %swap3A_284 = arith.index_cast %swap3A_283 : i32 to index
    %swap3A_285 = arith.constant 112 : index
    %swap3A_286 = tpu.vector_load %arg7[%swap3A_284, %swap3A_285] {strides = array<i32>} : memref<8x128xf32, #tpu.memory_space<vmem>>, vector<16xf32>,
    tpu.vector_store %arg7[%swap3A_284, %swap3A_285], %broadcast_in_dim3A_282 {strides = array<i32>} : memref<8x128xf32, #tpu.memory_space<vmem>>, vector<16xf32>,
    %broadcast_in_dim3A_287 = arith.constant 1.000000e+00 : f32
    %broadcast_in_dim3A_288 = vector.broadcast %broadcast_in_dim3A_287 : f32 to vector<16xf32>
    %swap3A_289 = arith.constant 6 : i32
    %swap3A_290 = arith.index_cast %swap3A_289 : i32 to index
    %swap3A_291 = arith.constant 0 : index
    %swap3A_292 = tpu.vector_load %arg7[%swap3A_290, %swap3A_291] {strides = array<i32>} : memref<8x128xf32, #tpu.memory_space<vmem>>, vector<16xf32>,
    tpu.vector_store %arg7[%swap3A_290, %swap3A_291], %broadcast_in_dim3A_288 {strides = array<i32>} : memref<8x128xf32, #tpu.memory_space<vmem>>, vector<16xf32>,
    %broadcast_in_dim3A_293 = arith.constant 1.000000e+00 : f32
    %broadcast_in_dim3A_294 = vector.broadcast %broadcast_in_dim3A_293 : f32 to vector<16xf32>
    %swap3A_295 = arith.constant 6 : i32
    %swap3A_296 = arith.index_cast %swap3A_295 : i32 to index
    %swap3A_297 = arith.constant 16 : index
    %swap3A_298 = tpu.vector_load %arg7[%swap3A_296, %swap3A_297] {strides = array<i32>} : memref<8x128xf32, #tpu.memory_space<vmem>>, vector<16xf32>,
    tpu.vector_store %arg7[%swap3A_296, %swap3A_297], %broadcast_in_dim3A_294 {strides = array<i32>} : memref<8x128xf32, #tpu.memory_space<vmem>>, vector<16xf32>,
    %broadcast_in_dim3A_299 = arith.constant 1.000000e+00 : f32
    %broadcast_in_dim3A_300 = vector.broadcast %broadcast_in_dim3A_299 : f32 to vector<16xf32>
    %swap3A_301 = arith.constant 6 : i32
    %swap3A_302 = arith.index_cast %swap3A_301 : i32 to index
    %swap3A_303 = arith.constant 32 : index
    %swap3A_304 = tpu.vector_load %arg7[%swap3A_302, %swap3A_303] {strides = array<i32>} : memref<8x128xf32, #tpu.memory_space<vmem>>, vector<16xf32>,
    tpu.vector_store %arg7[%swap3A_302, %swap3A_303], %broadcast_in_dim3A_300 {strides = array<i32>} : memref<8x128xf32, #tpu.memory_space<vmem>>, vector<16xf32>,
    %broadcast_in_dim3A_305 = arith.constant 1.000000e+00 : f32
    %broadcast_in_dim3A_306 = vector.broadcast %broadcast_in_dim3A_305 : f32 to vector<16xf32>
    %swap3A_307 = arith.constant 6 : i32
    %swap3A_308 = arith.index_cast %swap3A_307 : i32 to index
    %swap3A_309 = arith.constant 48 : index
    %swap3A_310 = tpu.vector_load %arg7[%swap3A_308, %swap3A_309] {strides = array<i32>} : memref<8x128xf32, #tpu.memory_space<vmem>>, vector<16xf32>,
    tpu.vector_store %arg7[%swap3A_308, %swap3A_309], %broadcast_in_dim3A_306 {strides = array<i32>} : memref<8x128xf32, #tpu.memory_space<vmem>>, vector<16xf32>,
    %broadcast_in_dim3A_311 = arith.constant 1.000000e+00 : f32
    %broadcast_in_dim3A_312 = vector.broadcast %broadcast_in_dim3A_311 : f32 to vector<16xf32>
    %swap3A_313 = arith.constant 6 : i32
    %swap3A_314 = arith.index_cast %swap3A_313 : i32 to index
    %swap3A_315 = arith.constant 64 : index
    %swap3A_316 = tpu.vector_load %arg7[%swap3A_314, %swap3A_315] {strides = array<i32>} : memref<8x128xf32, #tpu.memory_space<vmem>>, vector<16xf32>,
    tpu.vector_store %arg7[%swap3A_314, %swap3A_315], %broadcast_in_dim3A_312 {strides = array<i32>} : memref<8x128xf32, #tpu.memory_space<vmem>>, vector<16xf32>,
    %broadcast_in_dim3A_317 = arith.constant 1.000000e+00 : f32
    %broadcast_in_dim3A_318 = vector.broadcast %broadcast_in_dim3A_317 : f32 to vector<16xf32>
    %swap3A_319 = arith.constant 6 : i32
    %swap3A_320 = arith.index_cast %swap3A_319 : i32 to index
    %swap3A_321 = arith.constant 80 : index
    %swap3A_322 = tpu.vector_load %arg7[%swap3A_320, %swap3A_321] {strides = array<i32>} : memref<8x128xf32, #tpu.memory_space<vmem>>, vector<16xf32>,
    tpu.vector_store %arg7[%swap3A_320, %swap3A_321], %broadcast_in_dim3A_318 {strides = array<i32>} : memref<8x128xf32, #tpu.memory_space<vmem>>, vector<16xf32>,
    %broadcast_in_dim3A_323 = arith.constant 1.000000e+00 : f32
    %broadcast_in_dim3A_324 = vector.broadcast %broadcast_in_dim3A_323 : f32 to vector<16xf32>
    %swap3A_325 = arith.constant 6 : i32
    %swap3A_326 = arith.index_cast %swap3A_325 : i32 to index
    %swap3A_327 = arith.constant 96 : index
    %swap3A_328 = tpu.vector_load %arg7[%swap3A_326, %swap3A_327] {strides = array<i32>} : memref<8x128xf32, #tpu.memory_space<vmem>>, vector<16xf32>,
    tpu.vector_store %arg7[%swap3A_326, %swap3A_327], %broadcast_in_dim3A_324 {strides = array<i32>} : memref<8x128xf32, #tpu.memory_space<vmem>>, vector<16xf32>,
    %broadcast_in_dim3A_329 = arith.constant 1.000000e+00 : f32
    %broadcast_in_dim3A_330 = vector.broadcast %broadcast_in_dim3A_329 : f32 to vector<16xf32>
    %swap3A_331 = arith.constant 6 : i32
    %swap3A_332 = arith.index_cast %swap3A_331 : i32 to index
    %swap3A_333 = arith.constant 112 : index
    %swap3A_334 = tpu.vector_load %arg7[%swap3A_332, %swap3A_333] {strides = array<i32>} : memref<8x128xf32, #tpu.memory_space<vmem>>, vector<16xf32>,
    tpu.vector_store %arg7[%swap3A_332, %swap3A_333], %broadcast_in_dim3A_330 {strides = array<i32>} : memref<8x128xf32, #tpu.memory_space<vmem>>, vector<16xf32>,
    %broadcast_in_dim3A_335 = arith.constant 1.000000e+00 : f32
    %broadcast_in_dim3A_336 = vector.broadcast %broadcast_in_dim3A_335 : f32 to vector<16xf32>
    %swap3A_337 = arith.constant 7 : i32
    %swap3A_338 = arith.index_cast %swap3A_337 : i32 to index
    %swap3A_339 = arith.constant 0 : index
    %swap3A_340 = tpu.vector_load %arg7[%swap3A_338, %swap3A_339] {strides = array<i32>} : memref<8x128xf32, #tpu.memory_space<vmem>>, vector<16xf32>,
    tpu.vector_store %arg7[%swap3A_338, %swap3A_339], %broadcast_in_dim3A_336 {strides = array<i32>} : memref<8x128xf32, #tpu.memory_space<vmem>>, vector<16xf32>,
    %broadcast_in_dim3A_341 = arith.constant 1.000000e+00 : f32
    %broadcast_in_dim3A_342 = vector.broadcast %broadcast_in_dim3A_341 : f32 to vector<16xf32>
    %swap3A_343 = arith.constant 7 : i32
    %swap3A_344 = arith.index_cast %swap3A_343 : i32 to index
    %swap3A_345 = arith.constant 16 : index
    %swap3A_346 = tpu.vector_load %arg7[%swap3A_344, %swap3A_345] {strides = array<i32>} : memref<8x128xf32, #tpu.memory_space<vmem>>, vector<16xf32>,
    tpu.vector_store %arg7[%swap3A_344, %swap3A_345], %broadcast_in_dim3A_342 {strides = array<i32>} : memref<8x128xf32, #tpu.memory_space<vmem>>, vector<16xf32>,
    %broadcast_in_dim3A_347 = arith.constant 1.000000e+00 : f32
    %broadcast_in_dim3A_348 = vector.broadcast %broadcast_in_dim3A_347 : f32 to vector<16xf32>
    %swap3A_349 = arith.constant 7 : i32
    %swap3A_350 = arith.index_cast %swap3A_349 : i32 to index
    %swap3A_351 = arith.constant 32 : index
    %swap3A_352 = tpu.vector_load %arg7[%swap3A_350, %swap3A_351] {strides = array<i32>} : memref<8x128xf32, #tpu.memory_space<vmem>>, vector<16xf32>,
    tpu.vector_store %arg7[%swap3A_350, %swap3A_351], %broadcast_in_dim3A_348 {strides = array<i32>} : memref<8x128xf32, #tpu.memory_space<vmem>>, vector<16xf32>,
    %broadcast_in_dim3A_353 = arith.constant 1.000000e+00 : f32
    %broadcast_in_dim3A_354 = vector.broadcast %broadcast_in_dim3A_353 : f32 to vector<16xf32>
    %swap3A_355 = arith.constant 7 : i32
    %swap3A_356 = arith.index_cast %swap3A_355 : i32 to index
    %swap3A_357 = arith.constant 48 : index
    %swap3A_358 = tpu.vector_load %arg7[%swap3A_356, %swap3A_357] {strides = array<i32>} : memref<8x128xf32, #tpu.memory_space<vmem>>, vector<16xf32>,
    tpu.vector_store %arg7[%swap3A_356, %swap3A_357], %broadcast_in_dim3A_354 {strides = array<i32>} : memref<8x128xf32, #tpu.memory_space<vmem>>, vector<16xf32>,
    %broadcast_in_dim3A_359 = arith.constant 1.000000e+00 : f32
    %broadcast_in_dim3A_360 = vector.broadcast %broadcast_in_dim3A_359 : f32 to vector<16xf32>
    %swap3A_361 = arith.constant 7 : i32
    %swap3A_362 = arith.index_cast %swap3A_361 : i32 to index
    %swap3A_363 = arith.constant 64 : index
    %swap3A_364 = tpu.vector_load %arg7[%swap3A_362, %swap3A_363] {strides = array<i32>} : memref<8x128xf32, #tpu.memory_space<vmem>>, vector<16xf32>,
    tpu.vector_store %arg7[%swap3A_362, %swap3A_363], %broadcast_in_dim3A_360 {strides = array<i32>} : memref<8x128xf32, #tpu.memory_space<vmem>>, vector<16xf32>,
    %broadcast_in_dim3A_365 = arith.constant 1.000000e+00 : f32
    %broadcast_in_dim3A_366 = vector.broadcast %broadcast_in_dim3A_365 : f32 to vector<16xf32>
    %swap3A_367 = arith.constant 7 : i32
    %swap3A_368 = arith.index_cast %swap3A_367 : i32 to index
    %swap3A_369 = arith.constant 80 : index
    %swap3A_370 = tpu.vector_load %arg7[%swap3A_368, %swap3A_369] {strides = array<i32>} : memref<8x128xf32, #tpu.memory_space<vmem>>, vector<16xf32>,
    tpu.vector_store %arg7[%swap3A_368, %swap3A_369], %broadcast_in_dim3A_366 {strides = array<i32>} : memref<8x128xf32, #tpu.memory_space<vmem>>, vector<16xf32>,
    %broadcast_in_dim3A_371 = arith.constant 1.000000e+00 : f32
    %broadcast_in_dim3A_372 = vector.broadcast %broadcast_in_dim3A_371 : f32 to vector<16xf32>
    %swap3A_373 = arith.constant 7 : i32
    %swap3A_374 = arith.index_cast %swap3A_373 : i32 to index
    %swap3A_375 = arith.constant 96 : index
    %swap3A_376 = tpu.vector_load %arg7[%swap3A_374, %swap3A_375] {strides = array<i32>} : memref<8x128xf32, #tpu.memory_space<vmem>>, vector<16xf32>,
    tpu.vector_store %arg7[%swap3A_374, %swap3A_375], %broadcast_in_dim3A_372 {strides = array<i32>} : memref<8x128xf32, #tpu.memory_space<vmem>>, vector<16xf32>,
    %broadcast_in_dim3A_377 = arith.constant 1.000000e+00 : f32
    %broadcast_in_dim3A_378 = vector.broadcast %broadcast_in_dim3A_377 : f32 to vector<16xf32>
    %swap3A_379 = arith.constant 7 : i32
    %swap3A_380 = arith.index_cast %swap3A_379 : i32 to index
    %swap3A_381 = arith.constant 112 : index
    %swap3A_382 = tpu.vector_load %arg7[%swap3A_380, %swap3A_381] {strides = array<i32>} : memref<8x128xf32, #tpu.memory_space<vmem>>, vector<16xf32>,
    tpu.vector_store %arg7[%swap3A_380, %swap3A_381], %broadcast_in_dim3A_378 {strides = array<i32>} : memref<8x128xf32, #tpu.memory_space<vmem>>, vector<16xf32>,
    %broadcast_in_dim3A_383 = arith.constant 0.000000e+00 : f32
    %broadcast_in_dim3A_384 = vector.broadcast %broadcast_in_dim3A_383 : f32 to vector<16xf32>
    %swap3A_385 = arith.constant 0 : index
    %swap3A_386 = tpu.vector_load %arg8[%swap3A_385] {strides = array<i32>} : memref<1008xf32, #tpu.memory_space<vmem>>, vector<16xf32>,
    tpu.vector_store %arg8[%swap3A_385], %broadcast_in_dim3A_384 {strides = array<i32>} : memref<1008xf32, #tpu.memory_space<vmem>>, vector<16xf32>,
    %broadcast_in_dim3A_387 = arith.constant 0.000000e+00 : f32
    %broadcast_in_dim3A_388 = vector.broadcast %broadcast_in_dim3A_387 : f32 to vector<16xf32>
    %swap3A_389 = arith.constant 16 : index
    %swap3A_390 = tpu.vector_load %arg8[%swap3A_389] {strides = array<i32>} : memref<1008xf32, #tpu.memory_space<vmem>>, vector<16xf32>,
    tpu.vector_store %arg8[%swap3A_389], %broadcast_in_dim3A_388 {strides = array<i32>} : memref<1008xf32, #tpu.memory_space<vmem>>, vector<16xf32>,
    %broadcast_in_dim3A_391 = arith.constant 0.000000e+00 : f32
    %broadcast_in_dim3A_392 = vector.broadcast %broadcast_in_dim3A_391 : f32 to vector<16xf32>
    %swap3A_393 = arith.constant 32 : index
    %swap3A_394 = tpu.vector_load %arg8[%swap3A_393] {strides = array<i32>} : memref<1008xf32, #tpu.memory_space<vmem>>, vector<16xf32>,
    tpu.vector_store %arg8[%swap3A_393], %broadcast_in_dim3A_392 {strides = array<i32>} : memref<1008xf32, #tpu.memory_space<vmem>>, vector<16xf32>,
    %broadcast_in_dim3A_395 = arith.constant 0.000000e+00 : f32
    %broadcast_in_dim3A_396 = vector.broadcast %broadcast_in_dim3A_395 : f32 to vector<16xf32>
    %swap3A_397 = arith.constant 48 : index
    %swap3A_398 = tpu.vector_load %arg8[%swap3A_397] {strides = array<i32>} : memref<1008xf32, #tpu.memory_space<vmem>>, vector<16xf32>,
    tpu.vector_store %arg8[%swap3A_397], %broadcast_in_dim3A_396 {strides = array<i32>} : memref<1008xf32, #tpu.memory_space<vmem>>, vector<16xf32>,
    %broadcast_in_dim3A_399 = arith.constant 0.000000e+00 : f32
    %broadcast_in_dim3A_400 = vector.broadcast %broadcast_in_dim3A_399 : f32 to vector<16xf32>
    %swap3A_401 = arith.constant 64 : index
    %swap3A_402 = tpu.vector_load %arg8[%swap3A_401] {strides = array<i32>} : memref<1008xf32, #tpu.memory_space<vmem>>, vector<16xf32>,
    tpu.vector_store %arg8[%swap3A_401], %broadcast_in_dim3A_400 {strides = array<i32>} : memref<1008xf32, #tpu.memory_space<vmem>>, vector<16xf32>,
    %broadcast_in_dim3A_403 = arith.constant 0.000000e+00 : f32
    %broadcast_in_dim3A_404 = vector.broadcast %broadcast_in_dim3A_403 : f32 to vector<16xf32>
    %swap3A_405 = arith.constant 80 : index
    %swap3A_406 = tpu.vector_load %arg8[%swap3A_405] {strides = array<i32>} : memref<1008xf32, #tpu.memory_space<vmem>>, vector<16xf32>,
    tpu.vector_store %arg8[%swap3A_405], %broadcast_in_dim3A_404 {strides = array<i32>} : memref<1008xf32, #tpu.memory_space<vmem>>, vector<16xf32>,
    %broadcast_in_dim3A_407 = arith.constant 0.000000e+00 : f32
    %broadcast_in_dim3A_408 = vector.broadcast %broadcast_in_dim3A_407 : f32 to vector<16xf32>
    %swap3A_409 = arith.constant 96 : index
    %swap3A_410 = tpu.vector_load %arg8[%swap3A_409] {strides = array<i32>} : memref<1008xf32, #tpu.memory_space<vmem>>, vector<16xf32>,
    tpu.vector_store %arg8[%swap3A_409], %broadcast_in_dim3A_408 {strides = array<i32>} : memref<1008xf32, #tpu.memory_space<vmem>>, vector<16xf32>,
    %broadcast_in_dim3A_411 = arith.constant 0.000000e+00 : f32
    %broadcast_in_dim3A_412 = vector.broadcast %broadcast_in_dim3A_411 : f32 to vector<16xf32>
    %swap3A_413 = arith.constant 112 : index
    %swap3A_414 = tpu.vector_load %arg8[%swap3A_413] {strides = array<i32>} : memref<1008xf32, #tpu.memory_space<vmem>>, vector<16xf32>,
    tpu.vector_store %arg8[%swap3A_413], %broadcast_in_dim3A_412 {strides = array<i32>} : memref<1008xf32, #tpu.memory_space<vmem>>, vector<16xf32>,
    %broadcast_in_dim3A_415 = arith.constant 0.000000e+00 : f32
    %broadcast_in_dim3A_416 = vector.broadcast %broadcast_in_dim3A_415 : f32 to vector<16xf32>
    %swap3A_417 = arith.constant 128 : index
    %swap3A_418 = tpu.vector_load %arg8[%swap3A_417] {strides = array<i32>} : memref<1008xf32, #tpu.memory_space<vmem>>, vector<16xf32>,
    tpu.vector_store %arg8[%swap3A_417], %broadcast_in_dim3A_416 {strides = array<i32>} : memref<1008xf32, #tpu.memory_space<vmem>>, vector<16xf32>,
    %broadcast_in_dim3A_419 = arith.constant 0.000000e+00 : f32
    %broadcast_in_dim3A_420 = vector.broadcast %broadcast_in_dim3A_419 : f32 to vector<16xf32>
    %swap3A_421 = arith.constant 144 : index
    %swap3A_422 = tpu.vector_load %arg8[%swap3A_421] {strides = array<i32>} : memref<1008xf32, #tpu.memory_space<vmem>>, vector<16xf32>,
    tpu.vector_store %arg8[%swap3A_421], %broadcast_in_dim3A_420 {strides = array<i32>} : memref<1008xf32, #tpu.memory_space<vmem>>, vector<16xf32>,
    %broadcast_in_dim3A_423 = arith.constant 0.000000e+00 : f32
    %broadcast_in_dim3A_424 = vector.broadcast %broadcast_in_dim3A_423 : f32 to vector<16xf32>
    %swap3A_425 = arith.constant 160 : index
    %swap3A_426 = tpu.vector_load %arg8[%swap3A_425] {strides = array<i32>} : memref<1008xf32, #tpu.memory_space<vmem>>, vector<16xf32>,
    tpu.vector_store %arg8[%swap3A_425], %broadcast_in_dim3A_424 {strides = array<i32>} : memref<1008xf32, #tpu.memory_space<vmem>>, vector<16xf32>,
    %broadcast_in_dim3A_427 = arith.constant 0.000000e+00 : f32
    %broadcast_in_dim3A_428 = vector.broadcast %broadcast_in_dim3A_427 : f32 to vector<16xf32>
    %swap3A_429 = arith.constant 176 : index
    %swap3A_430 = tpu.vector_load %arg8[%swap3A_429] {strides = array<i32>} : memref<1008xf32, #tpu.memory_space<vmem>>, vector<16xf32>,
    tpu.vector_store %arg8[%swap3A_429], %broadcast_in_dim3A_428 {strides = array<i32>} : memref<1008xf32, #tpu.memory_space<vmem>>, vector<16xf32>,
    %broadcast_in_dim3A_431 = arith.constant 0.000000e+00 : f32
    %broadcast_in_dim3A_432 = vector.broadcast %broadcast_in_dim3A_431 : f32 to vector<16xf32>
    %swap3A_433 = arith.constant 192 : index
    %swap3A_434 = tpu.vector_load %arg8[%swap3A_433] {strides = array<i32>} : memref<1008xf32, #tpu.memory_space<vmem>>, vector<16xf32>,
    tpu.vector_store %arg8[%swap3A_433], %broadcast_in_dim3A_432 {strides = array<i32>} : memref<1008xf32, #tpu.memory_space<vmem>>, vector<16xf32>,
    %broadcast_in_dim3A_435 = arith.constant 0.000000e+00 : f32
    %broadcast_in_dim3A_436 = vector.broadcast %broadcast_in_dim3A_435 : f32 to vector<16xf32>
    %swap3A_437 = arith.constant 208 : index
    %swap3A_438 = tpu.vector_load %arg8[%swap3A_437] {strides = array<i32>} : memref<1008xf32, #tpu.memory_space<vmem>>, vector<16xf32>,
    tpu.vector_store %arg8[%swap3A_437], %broadcast_in_dim3A_436 {strides = array<i32>} : memref<1008xf32, #tpu.memory_space<vmem>>, vector<16xf32>,
    %broadcast_in_dim3A_439 = arith.constant 0.000000e+00 : f32
    %broadcast_in_dim3A_440 = vector.broadcast %broadcast_in_dim3A_439 : f32 to vector<16xf32>
    %swap3A_441 = arith.constant 224 : index
    %swap3A_442 = tpu.vector_load %arg8[%swap3A_441] {strides = array<i32>} : memref<1008xf32, #tpu.memory_space<vmem>>, vector<16xf32>,
    tpu.vector_store %arg8[%swap3A_441], %broadcast_in_dim3A_440 {strides = array<i32>} : memref<1008xf32, #tpu.memory_space<vmem>>, vector<16xf32>,
    %broadcast_in_dim3A_443 = arith.constant 0.000000e+00 : f32
    %broadcast_in_dim3A_444 = vector.broadcast %broadcast_in_dim3A_443 : f32 to vector<16xf32>
    %swap3A_445 = arith.constant 240 : index
    %swap3A_446 = tpu.vector_load %arg8[%swap3A_445] {strides = array<i32>} : memref<1008xf32, #tpu.memory_space<vmem>>, vector<16xf32>,
    tpu.vector_store %arg8[%swap3A_445], %broadcast_in_dim3A_444 {strides = array<i32>} : memref<1008xf32, #tpu.memory_space<vmem>>, vector<16xf32>,
    %broadcast_in_dim3A_447 = arith.constant 0.000000e+00 : f32
    %broadcast_in_dim3A_448 = vector.broadcast %broadcast_in_dim3A_447 : f32 to vector<16xf32>
    %swap3A_449 = arith.constant 256 : index
    %swap3A_450 = tpu.vector_load %arg8[%swap3A_449] {strides = array<i32>} : memref<1008xf32, #tpu.memory_space<vmem>>, vector<16xf32>,
    tpu.vector_store %arg8[%swap3A_449], %broadcast_in_dim3A_448 {strides = array<i32>} : memref<1008xf32, #tpu.memory_space<vmem>>, vector<16xf32>,
    %broadcast_in_dim3A_451 = arith.constant 0.000000e+00 : f32
    %broadcast_in_dim3A_452 = vector.broadcast %broadcast_in_dim3A_451 : f32 to vector<16xf32>
    %swap3A_453 = arith.constant 272 : index
    %swap3A_454 = tpu.vector_load %arg8[%swap3A_453] {strides = array<i32>} : memref<1008xf32, #tpu.memory_space<vmem>>, vector<16xf32>,
    tpu.vector_store %arg8[%swap3A_453], %broadcast_in_dim3A_452 {strides = array<i32>} : memref<1008xf32, #tpu.memory_space<vmem>>, vector<16xf32>,
    %broadcast_in_dim3A_455 = arith.constant 0.000000e+00 : f32
    %broadcast_in_dim3A_456 = vector.broadcast %broadcast_in_dim3A_455 : f32 to vector<16xf32>
    %swap3A_457 = arith.constant 288 : index
    %swap3A_458 = tpu.vector_load %arg8[%swap3A_457] {strides = array<i32>} : memref<1008xf32, #tpu.memory_space<vmem>>, vector<16xf32>,
    tpu.vector_store %arg8[%swap3A_457], %broadcast_in_dim3A_456 {strides = array<i32>} : memref<1008xf32, #tpu.memory_space<vmem>>, vector<16xf32>,
    %broadcast_in_dim3A_459 = arith.constant 0.000000e+00 : f32
    %broadcast_in_dim3A_460 = vector.broadcast %broadcast_in_dim3A_459 : f32 to vector<16xf32>
    %swap3A_461 = arith.constant 304 : index
    %swap3A_462 = tpu.vector_load %arg8[%swap3A_461] {strides = array<i32>} : memref<1008xf32, #tpu.memory_space<vmem>>, vector<16xf32>,
    tpu.vector_store %arg8[%swap3A_461], %broadcast_in_dim3A_460 {strides = array<i32>} : memref<1008xf32, #tpu.memory_space<vmem>>, vector<16xf32>,
    %broadcast_in_dim3A_463 = arith.constant 0.000000e+00 : f32
    %broadcast_in_dim3A_464 = vector.broadcast %broadcast_in_dim3A_463 : f32 to vector<16xf32>
    %swap3A_465 = arith.constant 320 : index
    %swap3A_466 = tpu.vector_load %arg8[%swap3A_465] {strides = array<i32>} : memref<1008xf32, #tpu.memory_space<vmem>>, vector<16xf32>,
    tpu.vector_store %arg8[%swap3A_465], %broadcast_in_dim3A_464 {strides = array<i32>} : memref<1008xf32, #tpu.memory_space<vmem>>, vector<16xf32>,
    %broadcast_in_dim3A_467 = arith.constant 0.000000e+00 : f32
    %broadcast_in_dim3A_468 = vector.broadcast %broadcast_in_dim3A_467 : f32 to vector<16xf32>
    %swap3A_469 = arith.constant 336 : index
    %swap3A_470 = tpu.vector_load %arg8[%swap3A_469] {strides = array<i32>} : memref<1008xf32, #tpu.memory_space<vmem>>, vector<16xf32>,
    tpu.vector_store %arg8[%swap3A_469], %broadcast_in_dim3A_468 {strides = array<i32>} : memref<1008xf32, #tpu.memory_space<vmem>>, vector<16xf32>,
    %broadcast_in_dim3A_471 = arith.constant 0.000000e+00 : f32
    %broadcast_in_dim3A_472 = vector.broadcast %broadcast_in_dim3A_471 : f32 to vector<16xf32>
    %swap3A_473 = arith.constant 352 : index
    %swap3A_474 = tpu.vector_load %arg8[%swap3A_473] {strides = array<i32>} : memref<1008xf32, #tpu.memory_space<vmem>>, vector<16xf32>,
    tpu.vector_store %arg8[%swap3A_473], %broadcast_in_dim3A_472 {strides = array<i32>} : memref<1008xf32, #tpu.memory_space<vmem>>, vector<16xf32>,
    %broadcast_in_dim3A_475 = arith.constant 0.000000e+00 : f32
    %broadcast_in_dim3A_476 = vector.broadcast %broadcast_in_dim3A_475 : f32 to vector<16xf32>
    %swap3A_477 = arith.constant 368 : index
    %swap3A_478 = tpu.vector_load %arg8[%swap3A_477] {strides = array<i32>} : memref<1008xf32, #tpu.memory_space<vmem>>, vector<16xf32>,
    tpu.vector_store %arg8[%swap3A_477], %broadcast_in_dim3A_476 {strides = array<i32>} : memref<1008xf32, #tpu.memory_space<vmem>>, vector<16xf32>,
    %broadcast_in_dim3A_479 = arith.constant 0.000000e+00 : f32
    %broadcast_in_dim3A_480 = vector.broadcast %broadcast_in_dim3A_479 : f32 to vector<16xf32>
    %swap3A_481 = arith.constant 384 : index
    %swap3A_482 = tpu.vector_load %arg8[%swap3A_481] {strides = array<i32>} : memref<1008xf32, #tpu.memory_space<vmem>>, vector<16xf32>,
    tpu.vector_store %arg8[%swap3A_481], %broadcast_in_dim3A_480 {strides = array<i32>} : memref<1008xf32, #tpu.memory_space<vmem>>, vector<16xf32>,
    %broadcast_in_dim3A_483 = arith.constant 0.000000e+00 : f32
    %broadcast_in_dim3A_484 = vector.broadcast %broadcast_in_dim3A_483 : f32 to vector<16xf32>
    %swap3A_485 = arith.constant 400 : index
    %swap3A_486 = tpu.vector_load %arg8[%swap3A_485] {strides = array<i32>} : memref<1008xf32, #tpu.memory_space<vmem>>, vector<16xf32>,
    tpu.vector_store %arg8[%swap3A_485], %broadcast_in_dim3A_484 {strides = array<i32>} : memref<1008xf32, #tpu.memory_space<vmem>>, vector<16xf32>,
    %broadcast_in_dim3A_487 = arith.constant 0.000000e+00 : f32
    %broadcast_in_dim3A_488 = vector.broadcast %broadcast_in_dim3A_487 : f32 to vector<16xf32>
    %swap3A_489 = arith.constant 416 : index
    %swap3A_490 = tpu.vector_load %arg8[%swap3A_489] {strides = array<i32>} : memref<1008xf32, #tpu.memory_space<vmem>>, vector<16xf32>,
    tpu.vector_store %arg8[%swap3A_489], %broadcast_in_dim3A_488 {strides = array<i32>} : memref<1008xf32, #tpu.memory_space<vmem>>, vector<16xf32>,
    %broadcast_in_dim3A_491 = arith.constant 0.000000e+00 : f32
    %broadcast_in_dim3A_492 = vector.broadcast %broadcast_in_dim3A_491 : f32 to vector<16xf32>
    %swap3A_493 = arith.constant 432 : index
    %swap3A_494 = tpu.vector_load %arg8[%swap3A_493] {strides = array<i32>} : memref<1008xf32, #tpu.memory_space<vmem>>, vector<16xf32>,
    tpu.vector_store %arg8[%swap3A_493], %broadcast_in_dim3A_492 {strides = array<i32>} : memref<1008xf32, #tpu.memory_space<vmem>>, vector<16xf32>,
    %broadcast_in_dim3A_495 = arith.constant 0.000000e+00 : f32
    %broadcast_in_dim3A_496 = vector.broadcast %broadcast_in_dim3A_495 : f32 to vector<16xf32>
    %swap3A_497 = arith.constant 448 : index
    %swap3A_498 = tpu.vector_load %arg8[%swap3A_497] {strides = array<i32>} : memref<1008xf32, #tpu.memory_space<vmem>>, vector<16xf32>,
    tpu.vector_store %arg8[%swap3A_497], %broadcast_in_dim3A_496 {strides = array<i32>} : memref<1008xf32, #tpu.memory_space<vmem>>, vector<16xf32>,
    %broadcast_in_dim3A_499 = arith.constant 0.000000e+00 : f32
    %broadcast_in_dim3A_500 = vector.broadcast %broadcast_in_dim3A_499 : f32 to vector<16xf32>
    %swap3A_501 = arith.constant 464 : index
    %swap3A_502 = tpu.vector_load %arg8[%swap3A_501] {strides = array<i32>} : memref<1008xf32, #tpu.memory_space<vmem>>, vector<16xf32>,
    tpu.vector_store %arg8[%swap3A_501], %broadcast_in_dim3A_500 {strides = array<i32>} : memref<1008xf32, #tpu.memory_space<vmem>>, vector<16xf32>,
    %broadcast_in_dim3A_503 = arith.constant 0.000000e+00 : f32
    %broadcast_in_dim3A_504 = vector.broadcast %broadcast_in_dim3A_503 : f32 to vector<16xf32>
    %swap3A_505 = arith.constant 480 : index
    %swap3A_506 = tpu.vector_load %arg8[%swap3A_505] {strides = array<i32>} : memref<1008xf32, #tpu.memory_space<vmem>>, vector<16xf32>,
    tpu.vector_store %arg8[%swap3A_505], %broadcast_in_dim3A_504 {strides = array<i32>} : memref<1008xf32, #tpu.memory_space<vmem>>, vector<16xf32>,
    %broadcast_in_dim3A_507 = arith.constant 0.000000e+00 : f32
    %broadcast_in_dim3A_508 = vector.broadcast %broadcast_in_dim3A_507 : f32 to vector<16xf32>
    %swap3A_509 = arith.constant 496 : index
    %swap3A_510 = tpu.vector_load %arg8[%swap3A_509] {strides = array<i32>} : memref<1008xf32, #tpu.memory_space<vmem>>, vector<16xf32>,
    tpu.vector_store %arg8[%swap3A_509], %broadcast_in_dim3A_508 {strides = array<i32>} : memref<1008xf32, #tpu.memory_space<vmem>>, vector<16xf32>,
    %broadcast_in_dim3A_511 = arith.constant 0.000000e+00 : f32
    %broadcast_in_dim3A_512 = vector.broadcast %broadcast_in_dim3A_511 : f32 to vector<16xf32>
    %swap3A_513 = arith.constant 512 : index
    %swap3A_514 = tpu.vector_load %arg8[%swap3A_513] {strides = array<i32>} : memref<1008xf32, #tpu.memory_space<vmem>>, vector<16xf32>,
    tpu.vector_store %arg8[%swap3A_513], %broadcast_in_dim3A_512 {strides = array<i32>} : memref<1008xf32, #tpu.memory_space<vmem>>, vector<16xf32>,
    %broadcast_in_dim3A_515 = arith.constant 0.000000e+00 : f32
    %broadcast_in_dim3A_516 = vector.broadcast %broadcast_in_dim3A_515 : f32 to vector<16xf32>
    %swap3A_517 = arith.constant 528 : index
    %swap3A_518 = tpu.vector_load %arg8[%swap3A_517] {strides = array<i32>} : memref<1008xf32, #tpu.memory_space<vmem>>, vector<16xf32>,
    tpu.vector_store %arg8[%swap3A_517], %broadcast_in_dim3A_516 {strides = array<i32>} : memref<1008xf32, #tpu.memory_space<vmem>>, vector<16xf32>,
    %broadcast_in_dim3A_519 = arith.constant 0.000000e+00 : f32
    %broadcast_in_dim3A_520 = vector.broadcast %broadcast_in_dim3A_519 : f32 to vector<16xf32>
    %swap3A_521 = arith.constant 544 : index
    %swap3A_522 = tpu.vector_load %arg8[%swap3A_521] {strides = array<i32>} : memref<1008xf32, #tpu.memory_space<vmem>>, vector<16xf32>,
    tpu.vector_store %arg8[%swap3A_521], %broadcast_in_dim3A_520 {strides = array<i32>} : memref<1008xf32, #tpu.memory_space<vmem>>, vector<16xf32>,
    %broadcast_in_dim3A_523 = arith.constant 0.000000e+00 : f32
    %broadcast_in_dim3A_524 = vector.broadcast %broadcast_in_dim3A_523 : f32 to vector<16xf32>
    %swap3A_525 = arith.constant 560 : index
    %swap3A_526 = tpu.vector_load %arg8[%swap3A_525] {strides = array<i32>} : memref<1008xf32, #tpu.memory_space<vmem>>, vector<16xf32>,
    tpu.vector_store %arg8[%swap3A_525], %broadcast_in_dim3A_524 {strides = array<i32>} : memref<1008xf32, #tpu.memory_space<vmem>>, vector<16xf32>,
    %broadcast_in_dim3A_527 = arith.constant 0.000000e+00 : f32
    %broadcast_in_dim3A_528 = vector.broadcast %broadcast_in_dim3A_527 : f32 to vector<16xf32>
    %swap3A_529 = arith.constant 576 : index
    %swap3A_530 = tpu.vector_load %arg8[%swap3A_529] {strides = array<i32>} : memref<1008xf32, #tpu.memory_space<vmem>>, vector<16xf32>,
    tpu.vector_store %arg8[%swap3A_529], %broadcast_in_dim3A_528 {strides = array<i32>} : memref<1008xf32, #tpu.memory_space<vmem>>, vector<16xf32>,
    %broadcast_in_dim3A_531 = arith.constant 0.000000e+00 : f32
    %broadcast_in_dim3A_532 = vector.broadcast %broadcast_in_dim3A_531 : f32 to vector<16xf32>
    %swap3A_533 = arith.constant 592 : index
    %swap3A_534 = tpu.vector_load %arg8[%swap3A_533] {strides = array<i32>} : memref<1008xf32, #tpu.memory_space<vmem>>, vector<16xf32>,
    tpu.vector_store %arg8[%swap3A_533], %broadcast_in_dim3A_532 {strides = array<i32>} : memref<1008xf32, #tpu.memory_space<vmem>>, vector<16xf32>,
    %broadcast_in_dim3A_535 = arith.constant 0.000000e+00 : f32
    %broadcast_in_dim3A_536 = vector.broadcast %broadcast_in_dim3A_535 : f32 to vector<16xf32>
    %swap3A_537 = arith.constant 608 : index
    %swap3A_538 = tpu.vector_load %arg8[%swap3A_537] {strides = array<i32>} : memref<1008xf32, #tpu.memory_space<vmem>>, vector<16xf32>,
    tpu.vector_store %arg8[%swap3A_537], %broadcast_in_dim3A_536 {strides = array<i32>} : memref<1008xf32, #tpu.memory_space<vmem>>, vector<16xf32>,
    %broadcast_in_dim3A_539 = arith.constant 0.000000e+00 : f32
    %broadcast_in_dim3A_540 = vector.broadcast %broadcast_in_dim3A_539 : f32 to vector<16xf32>
    %swap3A_541 = arith.constant 624 : index
    %swap3A_542 = tpu.vector_load %arg8[%swap3A_541] {strides = array<i32>} : memref<1008xf32, #tpu.memory_space<vmem>>, vector<16xf32>,
    tpu.vector_store %arg8[%swap3A_541], %broadcast_in_dim3A_540 {strides = array<i32>} : memref<1008xf32, #tpu.memory_space<vmem>>, vector<16xf32>,
    %broadcast_in_dim3A_543 = arith.constant 0.000000e+00 : f32
    %broadcast_in_dim3A_544 = vector.broadcast %broadcast_in_dim3A_543 : f32 to vector<16xf32>
    %swap3A_545 = arith.constant 640 : index
    %swap3A_546 = tpu.vector_load %arg8[%swap3A_545] {strides = array<i32>} : memref<1008xf32, #tpu.memory_space<vmem>>, vector<16xf32>,
    tpu.vector_store %arg8[%swap3A_545], %broadcast_in_dim3A_544 {strides = array<i32>} : memref<1008xf32, #tpu.memory_space<vmem>>, vector<16xf32>,
    %broadcast_in_dim3A_547 = arith.constant 0.000000e+00 : f32
    %broadcast_in_dim3A_548 = vector.broadcast %broadcast_in_dim3A_547 : f32 to vector<16xf32>
    %swap3A_549 = arith.constant 656 : index
    %swap3A_550 = tpu.vector_load %arg8[%swap3A_549] {strides = array<i32>} : memref<1008xf32, #tpu.memory_space<vmem>>, vector<16xf32>,
    tpu.vector_store %arg8[%swap3A_549], %broadcast_in_dim3A_548 {strides = array<i32>} : memref<1008xf32, #tpu.memory_space<vmem>>, vector<16xf32>,
    %broadcast_in_dim3A_551 = arith.constant 0.000000e+00 : f32
    %broadcast_in_dim3A_552 = vector.broadcast %broadcast_in_dim3A_551 : f32 to vector<16xf32>
    %swap3A_553 = arith.constant 672 : index
    %swap3A_554 = tpu.vector_load %arg8[%swap3A_553] {strides = array<i32>} : memref<1008xf32, #tpu.memory_space<vmem>>, vector<16xf32>,
    tpu.vector_store %arg8[%swap3A_553], %broadcast_in_dim3A_552 {strides = array<i32>} : memref<1008xf32, #tpu.memory_space<vmem>>, vector<16xf32>,
    %broadcast_in_dim3A_555 = arith.constant 0.000000e+00 : f32
    %broadcast_in_dim3A_556 = vector.broadcast %broadcast_in_dim3A_555 : f32 to vector<16xf32>
    %swap3A_557 = arith.constant 688 : index
    %swap3A_558 = tpu.vector_load %arg8[%swap3A_557] {strides = array<i32>} : memref<1008xf32, #tpu.memory_space<vmem>>, vector<16xf32>,
    tpu.vector_store %arg8[%swap3A_557], %broadcast_in_dim3A_556 {strides = array<i32>} : memref<1008xf32, #tpu.memory_space<vmem>>, vector<16xf32>,
    %broadcast_in_dim3A_559 = arith.constant 0.000000e+00 : f32
    %broadcast_in_dim3A_560 = vector.broadcast %broadcast_in_dim3A_559 : f32 to vector<16xf32>
    %swap3A_561 = arith.constant 704 : index
    %swap3A_562 = tpu.vector_load %arg8[%swap3A_561] {strides = array<i32>} : memref<1008xf32, #tpu.memory_space<vmem>>, vector<16xf32>,
    tpu.vector_store %arg8[%swap3A_561], %broadcast_in_dim3A_560 {strides = array<i32>} : memref<1008xf32, #tpu.memory_space<vmem>>, vector<16xf32>,
    %broadcast_in_dim3A_563 = arith.constant 0.000000e+00 : f32
    %broadcast_in_dim3A_564 = vector.broadcast %broadcast_in_dim3A_563 : f32 to vector<16xf32>
    %swap3A_565 = arith.constant 720 : index
    %swap3A_566 = tpu.vector_load %arg8[%swap3A_565] {strides = array<i32>} : memref<1008xf32, #tpu.memory_space<vmem>>, vector<16xf32>,
    tpu.vector_store %arg8[%swap3A_565], %broadcast_in_dim3A_564 {strides = array<i32>} : memref<1008xf32, #tpu.memory_space<vmem>>, vector<16xf32>,
    %broadcast_in_dim3A_567 = arith.constant 0.000000e+00 : f32
    %broadcast_in_dim3A_568 = vector.broadcast %broadcast_in_dim3A_567 : f32 to vector<16xf32>
    %swap3A_569 = arith.constant 736 : index
    %swap3A_570 = tpu.vector_load %arg8[%swap3A_569] {strides = array<i32>} : memref<1008xf32, #tpu.memory_space<vmem>>, vector<16xf32>,
    tpu.vector_store %arg8[%swap3A_569], %broadcast_in_dim3A_568 {strides = array<i32>} : memref<1008xf32, #tpu.memory_space<vmem>>, vector<16xf32>,
    %broadcast_in_dim3A_571 = arith.constant 0.000000e+00 : f32
    %broadcast_in_dim3A_572 = vector.broadcast %broadcast_in_dim3A_571 : f32 to vector<16xf32>
    %swap3A_573 = arith.constant 752 : index
    %swap3A_574 = tpu.vector_load %arg8[%swap3A_573] {strides = array<i32>} : memref<1008xf32, #tpu.memory_space<vmem>>, vector<16xf32>,
    tpu.vector_store %arg8[%swap3A_573], %broadcast_in_dim3A_572 {strides = array<i32>} : memref<1008xf32, #tpu.memory_space<vmem>>, vector<16xf32>,
    %broadcast_in_dim3A_575 = arith.constant 0.000000e+00 : f32
    %broadcast_in_dim3A_576 = vector.broadcast %broadcast_in_dim3A_575 : f32 to vector<16xf32>
    %swap3A_577 = arith.constant 768 : index
    %swap3A_578 = tpu.vector_load %arg8[%swap3A_577] {strides = array<i32>} : memref<1008xf32, #tpu.memory_space<vmem>>, vector<16xf32>,
    tpu.vector_store %arg8[%swap3A_577], %broadcast_in_dim3A_576 {strides = array<i32>} : memref<1008xf32, #tpu.memory_space<vmem>>, vector<16xf32>,
    %broadcast_in_dim3A_579 = arith.constant 0.000000e+00 : f32
    %broadcast_in_dim3A_580 = vector.broadcast %broadcast_in_dim3A_579 : f32 to vector<16xf32>
    %swap3A_581 = arith.constant 784 : index
    %swap3A_582 = tpu.vector_load %arg8[%swap3A_581] {strides = array<i32>} : memref<1008xf32, #tpu.memory_space<vmem>>, vector<16xf32>,
    tpu.vector_store %arg8[%swap3A_581], %broadcast_in_dim3A_580 {strides = array<i32>} : memref<1008xf32, #tpu.memory_space<vmem>>, vector<16xf32>,
    %broadcast_in_dim3A_583 = arith.constant 0.000000e+00 : f32
    %broadcast_in_dim3A_584 = vector.broadcast %broadcast_in_dim3A_583 : f32 to vector<16xf32>
    %swap3A_585 = arith.constant 800 : index
    %swap3A_586 = tpu.vector_load %arg8[%swap3A_585] {strides = array<i32>} : memref<1008xf32, #tpu.memory_space<vmem>>, vector<16xf32>,
    tpu.vector_store %arg8[%swap3A_585], %broadcast_in_dim3A_584 {strides = array<i32>} : memref<1008xf32, #tpu.memory_space<vmem>>, vector<16xf32>,
    %broadcast_in_dim3A_587 = arith.constant 0.000000e+00 : f32
    %broadcast_in_dim3A_588 = vector.broadcast %broadcast_in_dim3A_587 : f32 to vector<16xf32>
    %swap3A_589 = arith.constant 816 : index
    %swap3A_590 = tpu.vector_load %arg8[%swap3A_589] {strides = array<i32>} : memref<1008xf32, #tpu.memory_space<vmem>>, vector<16xf32>,
    tpu.vector_store %arg8[%swap3A_589], %broadcast_in_dim3A_588 {strides = array<i32>} : memref<1008xf32, #tpu.memory_space<vmem>>, vector<16xf32>,
    %broadcast_in_dim3A_591 = arith.constant 0.000000e+00 : f32
    %broadcast_in_dim3A_592 = vector.broadcast %broadcast_in_dim3A_591 : f32 to vector<16xf32>
    %swap3A_593 = arith.constant 832 : index
    %swap3A_594 = tpu.vector_load %arg8[%swap3A_593] {strides = array<i32>} : memref<1008xf32, #tpu.memory_space<vmem>>, vector<16xf32>,
    tpu.vector_store %arg8[%swap3A_593], %broadcast_in_dim3A_592 {strides = array<i32>} : memref<1008xf32, #tpu.memory_space<vmem>>, vector<16xf32>,
    %broadcast_in_dim3A_595 = arith.constant 0.000000e+00 : f32
    %broadcast_in_dim3A_596 = vector.broadcast %broadcast_in_dim3A_595 : f32 to vector<16xf32>
    %swap3A_597 = arith.constant 848 : index
    %swap3A_598 = tpu.vector_load %arg8[%swap3A_597] {strides = array<i32>} : memref<1008xf32, #tpu.memory_space<vmem>>, vector<16xf32>,
    tpu.vector_store %arg8[%swap3A_597], %broadcast_in_dim3A_596 {strides = array<i32>} : memref<1008xf32, #tpu.memory_space<vmem>>, vector<16xf32>,
    %broadcast_in_dim3A_599 = arith.constant 0.000000e+00 : f32
    %broadcast_in_dim3A_600 = vector.broadcast %broadcast_in_dim3A_599 : f32 to vector<16xf32>
    %swap3A_601 = arith.constant 864 : index
    %swap3A_602 = tpu.vector_load %arg8[%swap3A_601] {strides = array<i32>} : memref<1008xf32, #tpu.memory_space<vmem>>, vector<16xf32>,
    tpu.vector_store %arg8[%swap3A_601], %broadcast_in_dim3A_600 {strides = array<i32>} : memref<1008xf32, #tpu.memory_space<vmem>>, vector<16xf32>,
    %broadcast_in_dim3A_603 = arith.constant 0.000000e+00 : f32
    %broadcast_in_dim3A_604 = vector.broadcast %broadcast_in_dim3A_603 : f32 to vector<16xf32>
    %swap3A_605 = arith.constant 880 : index
    %swap3A_606 = tpu.vector_load %arg8[%swap3A_605] {strides = array<i32>} : memref<1008xf32, #tpu.memory_space<vmem>>, vector<16xf32>,
    tpu.vector_store %arg8[%swap3A_605], %broadcast_in_dim3A_604 {strides = array<i32>} : memref<1008xf32, #tpu.memory_space<vmem>>, vector<16xf32>,
    %broadcast_in_dim3A_607 = arith.constant 0.000000e+00 : f32
    %broadcast_in_dim3A_608 = vector.broadcast %broadcast_in_dim3A_607 : f32 to vector<16xf32>
    %swap3A_609 = arith.constant 896 : index
    %swap3A_610 = tpu.vector_load %arg8[%swap3A_609] {strides = array<i32>} : memref<1008xf32, #tpu.memory_space<vmem>>, vector<16xf32>,
    tpu.vector_store %arg8[%swap3A_609], %broadcast_in_dim3A_608 {strides = array<i32>} : memref<1008xf32, #tpu.memory_space<vmem>>, vector<16xf32>,
    %broadcast_in_dim3A_611 = arith.constant 0.000000e+00 : f32
    %broadcast_in_dim3A_612 = vector.broadcast %broadcast_in_dim3A_611 : f32 to vector<16xf32>
    %swap3A_613 = arith.constant 912 : index
    %swap3A_614 = tpu.vector_load %arg8[%swap3A_613] {strides = array<i32>} : memref<1008xf32, #tpu.memory_space<vmem>>, vector<16xf32>,
    tpu.vector_store %arg8[%swap3A_613], %broadcast_in_dim3A_612 {strides = array<i32>} : memref<1008xf32, #tpu.memory_space<vmem>>, vector<16xf32>,
    %broadcast_in_dim3A_615 = arith.constant 0.000000e+00 : f32
    %broadcast_in_dim3A_616 = vector.broadcast %broadcast_in_dim3A_615 : f32 to vector<16xf32>
    %swap3A_617 = arith.constant 928 : index
    %swap3A_618 = tpu.vector_load %arg8[%swap3A_617] {strides = array<i32>} : memref<1008xf32, #tpu.memory_space<vmem>>, vector<16xf32>,
    tpu.vector_store %arg8[%swap3A_617], %broadcast_in_dim3A_616 {strides = array<i32>} : memref<1008xf32, #tpu.memory_space<vmem>>, vector<16xf32>,
    %broadcast_in_dim3A_619 = arith.constant 0.000000e+00 : f32
    %broadcast_in_dim3A_620 = vector.broadcast %broadcast_in_dim3A_619 : f32 to vector<16xf32>
    %swap3A_621 = arith.constant 944 : index
    %swap3A_622 = tpu.vector_load %arg8[%swap3A_621] {strides = array<i32>} : memref<1008xf32, #tpu.memory_space<vmem>>, vector<16xf32>,
    tpu.vector_store %arg8[%swap3A_621], %broadcast_in_dim3A_620 {strides = array<i32>} : memref<1008xf32, #tpu.memory_space<vmem>>, vector<16xf32>,
    %broadcast_in_dim3A_623 = arith.constant 0.000000e+00 : f32
    %broadcast_in_dim3A_624 = vector.broadcast %broadcast_in_dim3A_623 : f32 to vector<16xf32>
    %swap3A_625 = arith.constant 960 : index
    %swap3A_626 = tpu.vector_load %arg8[%swap3A_625] {strides = array<i32>} : memref<1008xf32, #tpu.memory_space<vmem>>, vector<16xf32>,
    tpu.vector_store %arg8[%swap3A_625], %broadcast_in_dim3A_624 {strides = array<i32>} : memref<1008xf32, #tpu.memory_space<vmem>>, vector<16xf32>,
    %broadcast_in_dim3A_627 = arith.constant 0.000000e+00 : f32
    %broadcast_in_dim3A_628 = vector.broadcast %broadcast_in_dim3A_627 : f32 to vector<16xf32>
    %swap3A_629 = arith.constant 976 : index
    %swap3A_630 = tpu.vector_load %arg8[%swap3A_629] {strides = array<i32>} : memref<1008xf32, #tpu.memory_space<vmem>>, vector<16xf32>,
    tpu.vector_store %arg8[%swap3A_629], %broadcast_in_dim3A_628 {strides = array<i32>} : memref<1008xf32, #tpu.memory_space<vmem>>, vector<16xf32>,
    %broadcast_in_dim3A_631 = arith.constant 0.000000e+00 : f32
    %broadcast_in_dim3A_632 = vector.broadcast %broadcast_in_dim3A_631 : f32 to vector<16xf32>
    %swap3A_633 = arith.constant 992 : index
    %swap3A_634 = tpu.vector_load %arg8[%swap3A_633] {strides = array<i32>} : memref<1008xf32, #tpu.memory_space<vmem>>, vector<16xf32>,
    tpu.vector_store %arg8[%swap3A_633], %broadcast_in_dim3A_632 {strides = array<i32>} : memref<1008xf32, #tpu.memory_space<vmem>>, vector<16xf32>,
    %eq3A = arith.constant 0 : i32
    %eq3A_635 = arith.cmpi eq, %arg1, %eq3A : i32
    %convert_element_type3A = arith.extui %eq3A_635 : i1 to i32
    %cond3A = arith.constant 0 : i32
    %cond3A_636 = arith.cmpi ne, %convert_element_type3A, %cond3A : i32
    scf.if %cond3A_636 {
      "tpu.region"() ({
        %run_scoped3A_674 = tpu.sem_alloc : memref<!tpu.dma_semaphore, #tpu.memory_space<semaphore_mem>>
        tpu.enqueue_dma source(%arg8 : memref<1008xf32, #tpu.memory_space<vmem>>) target(%arg11 : memref<1008xf32, #tpu.memory_space<vmem_shared>>) target_semaphore(%run_scoped3A_674 : memref<!tpu.dma_semaphore, #tpu.memory_space<semaphore_mem>>)
        tpu.wait_dma2 semaphore(%run_scoped3A_674 : memref<!tpu.dma_semaphore, #tpu.memory_space<semaphore_mem>>) src(%arg8 : memref<1008xf32, #tpu.memory_space<vmem>>) dst(%arg11 : memref<1008xf32, #tpu.memory_space<vmem_shared>>)
        tpu.yield
      }) : () -> ()
      "tpu.region"() ({
        %run_scoped3A_674 = tpu.sem_alloc : memref<!tpu.dma_semaphore, #tpu.memory_space<semaphore_mem>>
        tpu.enqueue_dma source(%arg8 : memref<1008xf32, #tpu.memory_space<vmem>>) target(%arg12 : memref<1008xf32, #tpu.memory_space<vmem_shared>>) target_semaphore(%run_scoped3A_674 : memref<!tpu.dma_semaphore, #tpu.memory_space<semaphore_mem>>)
        tpu.wait_dma2 semaphore(%run_scoped3A_674 : memref<!tpu.dma_semaphore, #tpu.memory_space<semaphore_mem>>) src(%arg8 : memref<1008xf32, #tpu.memory_space<vmem>>) dst(%arg12 : memref<1008xf32, #tpu.memory_space<vmem_shared>>)
        tpu.yield
      }) : () -> ()
    } else {
    }
    %barrier3A = arith.constant 0 : index
    tpu.barrier barrier_id(%barrier3A)
    %run_scoped3A = arith.constant 0 : i32
    %run_scoped3A_637 = arith.constant 0 : i32
    "tpu.region"() ({
      %run_scoped3A_674 = tpu.sem_alloc : memref<!tpu.dma_semaphore, #tpu.memory_space<semaphore_mem>>
      %dma_start3A = arith.constant 0 : i32
      %dma_start3A_675 = tpu.memref_slice %arg7[%run_scoped3A, %dma_start3A] : memref<8x128xf32, #tpu.memory_space<vmem>> -> memref<1x128xf32, #tpu.memory_space<vmem>>
      %dma_start3A_676 = tpu.memref_squeeze %dma_start3A_675 : memref<1x128xf32, #tpu.memory_space<vmem>> -> memref<128xf32, #tpu.memory_space<vmem>>
      %dma_start3A_677 = arith.constant 0 : i32
      %dma_start3A_678 = tpu.memref_slice %arg5[%run_scoped3A_637, %dma_start3A_677] : memref<8x128xi32, #tpu.memory_space<vmem>> -> memref<1x128xi32, #tpu.memory_space<vmem>>
      %dma_start3A_679 = tpu.memref_squeeze %dma_start3A_678 : memref<1x128xi32, #tpu.memory_space<vmem>> -> memref<128xi32, #tpu.memory_space<vmem>>
      %dma_start3A_680 = arith.constant 0 : i32
      %dma_start3A_681 = tpu.memref_slice %arg11[%dma_start3A_680] : memref<1008xf32, #tpu.memory_space<vmem_shared>> -> memref<1008xf32, #tpu.memory_space<vmem_shared>>
      tpu.enqueue_indirect_dma source(%dma_start3A_676 : memref<128xf32, #tpu.memory_space<vmem>>) target(%dma_start3A_681 : memref<1008xf32, #tpu.memory_space<vmem_shared>>) offsets(%dma_start3A_679 : memref<128xi32, #tpu.memory_space<vmem>>) semaphore(%run_scoped3A_674 : memref<!tpu.dma_semaphore, #tpu.memory_space<semaphore_mem>>) {add = true}
      %dma_wait3A = arith.constant 0 : i32
      %dma_wait3A_682 = tpu.memref_slice %arg7[%run_scoped3A, %dma_wait3A] : memref<8x128xf32, #tpu.memory_space<vmem>> -> memref<1x128xf32, #tpu.memory_space<vmem>>
      %dma_wait3A_683 = tpu.memref_squeeze %dma_wait3A_682 : memref<1x128xf32, #tpu.memory_space<vmem>> -> memref<128xf32, #tpu.memory_space<vmem>>
      %dma_wait3A_684 = arith.constant 0 : i32
      %dma_wait3A_685 = tpu.memref_slice %arg5[%run_scoped3A_637, %dma_wait3A_684] : memref<8x128xi32, #tpu.memory_space<vmem>> -> memref<1x128xi32, #tpu.memory_space<vmem>>
      %dma_wait3A_686 = tpu.memref_squeeze %dma_wait3A_685 : memref<1x128xi32, #tpu.memory_space<vmem>> -> memref<128xi32, #tpu.memory_space<vmem>>
      %dma_wait3A_687 = arith.constant 0 : i32
      %dma_wait3A_688 = tpu.memref_slice %arg11[%dma_wait3A_687] : memref<1008xf32, #tpu.memory_space<vmem_shared>> -> memref<1008xf32, #tpu.memory_space<vmem_shared>>
      tpu.wait_indirect_dma semaphore(%run_scoped3A_674 : memref<!tpu.dma_semaphore, #tpu.memory_space<semaphore_mem>>) src(%dma_wait3A_683 : memref<128xf32, #tpu.memory_space<vmem>>) dst(%dma_wait3A_688 : memref<1008xf32, #tpu.memory_space<vmem_shared>>)
      tpu.yield
    }) : () -> ()
    %run_scoped3A_638 = arith.constant 0 : i32
    %run_scoped3A_639 = arith.constant 0 : i32
    "tpu.region"() ({
      %run_scoped3A_674 = tpu.sem_alloc : memref<!tpu.dma_semaphore, #tpu.memory_space<semaphore_mem>>
      %dma_start3A = arith.constant 0 : i32
      %dma_start3A_675 = tpu.memref_slice %arg6[%run_scoped3A_638, %dma_start3A] : memref<8x128xf32, #tpu.memory_space<vmem>> -> memref<1x128xf32, #tpu.memory_space<vmem>>
      %dma_start3A_676 = tpu.memref_squeeze %dma_start3A_675 : memref<1x128xf32, #tpu.memory_space<vmem>> -> memref<128xf32, #tpu.memory_space<vmem>>
      %dma_start3A_677 = arith.constant 0 : i32
      %dma_start3A_678 = tpu.memref_slice %arg5[%run_scoped3A_639, %dma_start3A_677] : memref<8x128xi32, #tpu.memory_space<vmem>> -> memref<1x128xi32, #tpu.memory_space<vmem>>
      %dma_start3A_679 = tpu.memref_squeeze %dma_start3A_678 : memref<1x128xi32, #tpu.memory_space<vmem>> -> memref<128xi32, #tpu.memory_space<vmem>>
      %dma_start3A_680 = arith.constant 0 : i32
      %dma_start3A_681 = tpu.memref_slice %arg12[%dma_start3A_680] : memref<1008xf32, #tpu.memory_space<vmem_shared>> -> memref<1008xf32, #tpu.memory_space<vmem_shared>>
      tpu.enqueue_indirect_dma source(%dma_start3A_676 : memref<128xf32, #tpu.memory_space<vmem>>) target(%dma_start3A_681 : memref<1008xf32, #tpu.memory_space<vmem_shared>>) offsets(%dma_start3A_679 : memref<128xi32, #tpu.memory_space<vmem>>) semaphore(%run_scoped3A_674 : memref<!tpu.dma_semaphore, #tpu.memory_space<semaphore_mem>>) {add = true}
      %dma_wait3A = arith.constant 0 : i32
      %dma_wait3A_682 = tpu.memref_slice %arg6[%run_scoped3A_638, %dma_wait3A] : memref<8x128xf32, #tpu.memory_space<vmem>> -> memref<1x128xf32, #tpu.memory_space<vmem>>
      %dma_wait3A_683 = tpu.memref_squeeze %dma_wait3A_682 : memref<1x128xf32, #tpu.memory_space<vmem>> -> memref<128xf32, #tpu.memory_space<vmem>>
      %dma_wait3A_684 = arith.constant 0 : i32
      %dma_wait3A_685 = tpu.memref_slice %arg5[%run_scoped3A_639, %dma_wait3A_684] : memref<8x128xi32, #tpu.memory_space<vmem>> -> memref<1x128xi32, #tpu.memory_space<vmem>>
      %dma_wait3A_686 = tpu.memref_squeeze %dma_wait3A_685 : memref<1x128xi32, #tpu.memory_space<vmem>> -> memref<128xi32, #tpu.memory_space<vmem>>
      %dma_wait3A_687 = arith.constant 0 : i32
      %dma_wait3A_688 = tpu.memref_slice %arg12[%dma_wait3A_687] : memref<1008xf32, #tpu.memory_space<vmem_shared>> -> memref<1008xf32, #tpu.memory_space<vmem_shared>>
      tpu.wait_indirect_dma semaphore(%run_scoped3A_674 : memref<!tpu.dma_semaphore, #tpu.memory_space<semaphore_mem>>) src(%dma_wait3A_683 : memref<128xf32, #tpu.memory_space<vmem>>) dst(%dma_wait3A_688 : memref<1008xf32, #tpu.memory_space<vmem_shared>>)
      tpu.yield
    }) : () -> ()
    %run_scoped3A_640 = arith.constant 1 : i32
    %run_scoped3A_641 = arith.constant 1 : i32
    "tpu.region"() ({
      %run_scoped3A_674 = tpu.sem_alloc : memref<!tpu.dma_semaphore, #tpu.memory_space<semaphore_mem>>
      %dma_start3A = arith.constant 0 : i32
      %dma_start3A_675 = tpu.memref_slice %arg7[%run_scoped3A_640, %dma_start3A] : memref<8x128xf32, #tpu.memory_space<vmem>> -> memref<1x128xf32, #tpu.memory_space<vmem>>
      %dma_start3A_676 = tpu.memref_squeeze %dma_start3A_675 : memref<1x128xf32, #tpu.memory_space<vmem>> -> memref<128xf32, #tpu.memory_space<vmem>>
      %dma_start3A_677 = arith.constant 0 : i32
      %dma_start3A_678 = tpu.memref_slice %arg5[%run_scoped3A_641, %dma_start3A_677] : memref<8x128xi32, #tpu.memory_space<vmem>> -> memref<1x128xi32, #tpu.memory_space<vmem>>
      %dma_start3A_679 = tpu.memref_squeeze %dma_start3A_678 : memref<1x128xi32, #tpu.memory_space<vmem>> -> memref<128xi32, #tpu.memory_space<vmem>>
      %dma_start3A_680 = arith.constant 0 : i32
      %dma_start3A_681 = tpu.memref_slice %arg11[%dma_start3A_680] : memref<1008xf32, #tpu.memory_space<vmem_shared>> -> memref<1008xf32, #tpu.memory_space<vmem_shared>>
      tpu.enqueue_indirect_dma source(%dma_start3A_676 : memref<128xf32, #tpu.memory_space<vmem>>) target(%dma_start3A_681 : memref<1008xf32, #tpu.memory_space<vmem_shared>>) offsets(%dma_start3A_679 : memref<128xi32, #tpu.memory_space<vmem>>) semaphore(%run_scoped3A_674 : memref<!tpu.dma_semaphore, #tpu.memory_space<semaphore_mem>>) {add = true}
      %dma_wait3A = arith.constant 0 : i32
      %dma_wait3A_682 = tpu.memref_slice %arg7[%run_scoped3A_640, %dma_wait3A] : memref<8x128xf32, #tpu.memory_space<vmem>> -> memref<1x128xf32, #tpu.memory_space<vmem>>
      %dma_wait3A_683 = tpu.memref_squeeze %dma_wait3A_682 : memref<1x128xf32, #tpu.memory_space<vmem>> -> memref<128xf32, #tpu.memory_space<vmem>>
      %dma_wait3A_684 = arith.constant 0 : i32
      %dma_wait3A_685 = tpu.memref_slice %arg5[%run_scoped3A_641, %dma_wait3A_684] : memref<8x128xi32, #tpu.memory_space<vmem>> -> memref<1x128xi32, #tpu.memory_space<vmem>>
      %dma_wait3A_686 = tpu.memref_squeeze %dma_wait3A_685 : memref<1x128xi32, #tpu.memory_space<vmem>> -> memref<128xi32, #tpu.memory_space<vmem>>
      %dma_wait3A_687 = arith.constant 0 : i32
      %dma_wait3A_688 = tpu.memref_slice %arg11[%dma_wait3A_687] : memref<1008xf32, #tpu.memory_space<vmem_shared>> -> memref<1008xf32, #tpu.memory_space<vmem_shared>>
      tpu.wait_indirect_dma semaphore(%run_scoped3A_674 : memref<!tpu.dma_semaphore, #tpu.memory_space<semaphore_mem>>) src(%dma_wait3A_683 : memref<128xf32, #tpu.memory_space<vmem>>) dst(%dma_wait3A_688 : memref<1008xf32, #tpu.memory_space<vmem_shared>>)
      tpu.yield
    }) : () -> ()
    %run_scoped3A_642 = arith.constant 1 : i32
    %run_scoped3A_643 = arith.constant 1 : i32
    "tpu.region"() ({
      %run_scoped3A_674 = tpu.sem_alloc : memref<!tpu.dma_semaphore, #tpu.memory_space<semaphore_mem>>
      %dma_start3A = arith.constant 0 : i32
      %dma_start3A_675 = tpu.memref_slice %arg6[%run_scoped3A_642, %dma_start3A] : memref<8x128xf32, #tpu.memory_space<vmem>> -> memref<1x128xf32, #tpu.memory_space<vmem>>
      %dma_start3A_676 = tpu.memref_squeeze %dma_start3A_675 : memref<1x128xf32, #tpu.memory_space<vmem>> -> memref<128xf32, #tpu.memory_space<vmem>>
      %dma_start3A_677 = arith.constant 0 : i32
      %dma_start3A_678 = tpu.memref_slice %arg5[%run_scoped3A_643, %dma_start3A_677] : memref<8x128xi32, #tpu.memory_space<vmem>> -> memref<1x128xi32, #tpu.memory_space<vmem>>
      %dma_start3A_679 = tpu.memref_squeeze %dma_start3A_678 : memref<1x128xi32, #tpu.memory_space<vmem>> -> memref<128xi32, #tpu.memory_space<vmem>>
      %dma_start3A_680 = arith.constant 0 : i32
      %dma_start3A_681 = tpu.memref_slice %arg12[%dma_start3A_680] : memref<1008xf32, #tpu.memory_space<vmem_shared>> -> memref<1008xf32, #tpu.memory_space<vmem_shared>>
      tpu.enqueue_indirect_dma source(%dma_start3A_676 : memref<128xf32, #tpu.memory_space<vmem>>) target(%dma_start3A_681 : memref<1008xf32, #tpu.memory_space<vmem_shared>>) offsets(%dma_start3A_679 : memref<128xi32, #tpu.memory_space<vmem>>) semaphore(%run_scoped3A_674 : memref<!tpu.dma_semaphore, #tpu.memory_space<semaphore_mem>>) {add = true}
      %dma_wait3A = arith.constant 0 : i32
      %dma_wait3A_682 = tpu.memref_slice %arg6[%run_scoped3A_642, %dma_wait3A] : memref<8x128xf32, #tpu.memory_space<vmem>> -> memref<1x128xf32, #tpu.memory_space<vmem>>
      %dma_wait3A_683 = tpu.memref_squeeze %dma_wait3A_682 : memref<1x128xf32, #tpu.memory_space<vmem>> -> memref<128xf32, #tpu.memory_space<vmem>>
      %dma_wait3A_684 = arith.constant 0 : i32
      %dma_wait3A_685 = tpu.memref_slice %arg5[%run_scoped3A_643, %dma_wait3A_684] : memref<8x128xi32, #tpu.memory_space<vmem>> -> memref<1x128xi32, #tpu.memory_space<vmem>>
      %dma_wait3A_686 = tpu.memref_squeeze %dma_wait3A_685 : memref<1x128xi32, #tpu.memory_space<vmem>> -> memref<128xi32, #tpu.memory_space<vmem>>
      %dma_wait3A_687 = arith.constant 0 : i32
      %dma_wait3A_688 = tpu.memref_slice %arg12[%dma_wait3A_687] : memref<1008xf32, #tpu.memory_space<vmem_shared>> -> memref<1008xf32, #tpu.memory_space<vmem_shared>>
      tpu.wait_indirect_dma semaphore(%run_scoped3A_674 : memref<!tpu.dma_semaphore, #tpu.memory_space<semaphore_mem>>) src(%dma_wait3A_683 : memref<128xf32, #tpu.memory_space<vmem>>) dst(%dma_wait3A_688 : memref<1008xf32, #tpu.memory_space<vmem_shared>>)
      tpu.yield
    }) : () -> ()
    %run_scoped3A_644 = arith.constant 2 : i32
    %run_scoped3A_645 = arith.constant 2 : i32
    "tpu.region"() ({
      %run_scoped3A_674 = tpu.sem_alloc : memref<!tpu.dma_semaphore, #tpu.memory_space<semaphore_mem>>
      %dma_start3A = arith.constant 0 : i32
      %dma_start3A_675 = tpu.memref_slice %arg7[%run_scoped3A_644, %dma_start3A] : memref<8x128xf32, #tpu.memory_space<vmem>> -> memref<1x128xf32, #tpu.memory_space<vmem>>
      %dma_start3A_676 = tpu.memref_squeeze %dma_start3A_675 : memref<1x128xf32, #tpu.memory_space<vmem>> -> memref<128xf32, #tpu.memory_space<vmem>>
      %dma_start3A_677 = arith.constant 0 : i32
      %dma_start3A_678 = tpu.memref_slice %arg5[%run_scoped3A_645, %dma_start3A_677] : memref<8x128xi32, #tpu.memory_space<vmem>> -> memref<1x128xi32, #tpu.memory_space<vmem>>
      %dma_start3A_679 = tpu.memref_squeeze %dma_start3A_678 : memref<1x128xi32, #tpu.memory_space<vmem>> -> memref<128xi32, #tpu.memory_space<vmem>>
      %dma_start3A_680 = arith.constant 0 : i32
      %dma_start3A_681 = tpu.memref_slice %arg11[%dma_start3A_680] : memref<1008xf32, #tpu.memory_space<vmem_shared>> -> memref<1008xf32, #tpu.memory_space<vmem_shared>>
      tpu.enqueue_indirect_dma source(%dma_start3A_676 : memref<128xf32, #tpu.memory_space<vmem>>) target(%dma_start3A_681 : memref<1008xf32, #tpu.memory_space<vmem_shared>>) offsets(%dma_start3A_679 : memref<128xi32, #tpu.memory_space<vmem>>) semaphore(%run_scoped3A_674 : memref<!tpu.dma_semaphore, #tpu.memory_space<semaphore_mem>>) {add = true}
      %dma_wait3A = arith.constant 0 : i32
      %dma_wait3A_682 = tpu.memref_slice %arg7[%run_scoped3A_644, %dma_wait3A] : memref<8x128xf32, #tpu.memory_space<vmem>> -> memref<1x128xf32, #tpu.memory_space<vmem>>
      %dma_wait3A_683 = tpu.memref_squeeze %dma_wait3A_682 : memref<1x128xf32, #tpu.memory_space<vmem>> -> memref<128xf32, #tpu.memory_space<vmem>>
      %dma_wait3A_684 = arith.constant 0 : i32
      %dma_wait3A_685 = tpu.memref_slice %arg5[%run_scoped3A_645, %dma_wait3A_684] : memref<8x128xi32, #tpu.memory_space<vmem>> -> memref<1x128xi32, #tpu.memory_space<vmem>>
      %dma_wait3A_686 = tpu.memref_squeeze %dma_wait3A_685 : memref<1x128xi32, #tpu.memory_space<vmem>> -> memref<128xi32, #tpu.memory_space<vmem>>
      %dma_wait3A_687 = arith.constant 0 : i32
      %dma_wait3A_688 = tpu.memref_slice %arg11[%dma_wait3A_687] : memref<1008xf32, #tpu.memory_space<vmem_shared>> -> memref<1008xf32, #tpu.memory_space<vmem_shared>>
      tpu.wait_indirect_dma semaphore(%run_scoped3A_674 : memref<!tpu.dma_semaphore, #tpu.memory_space<semaphore_mem>>) src(%dma_wait3A_683 : memref<128xf32, #tpu.memory_space<vmem>>) dst(%dma_wait3A_688 : memref<1008xf32, #tpu.memory_space<vmem_shared>>)
      tpu.yield
    }) : () -> ()
    %run_scoped3A_646 = arith.constant 2 : i32
    %run_scoped3A_647 = arith.constant 2 : i32
    "tpu.region"() ({
      %run_scoped3A_674 = tpu.sem_alloc : memref<!tpu.dma_semaphore, #tpu.memory_space<semaphore_mem>>
      %dma_start3A = arith.constant 0 : i32
      %dma_start3A_675 = tpu.memref_slice %arg6[%run_scoped3A_646, %dma_start3A] : memref<8x128xf32, #tpu.memory_space<vmem>> -> memref<1x128xf32, #tpu.memory_space<vmem>>
      %dma_start3A_676 = tpu.memref_squeeze %dma_start3A_675 : memref<1x128xf32, #tpu.memory_space<vmem>> -> memref<128xf32, #tpu.memory_space<vmem>>
      %dma_start3A_677 = arith.constant 0 : i32
      %dma_start3A_678 = tpu.memref_slice %arg5[%run_scoped3A_647, %dma_start3A_677] : memref<8x128xi32, #tpu.memory_space<vmem>> -> memref<1x128xi32, #tpu.memory_space<vmem>>
      %dma_start3A_679 = tpu.memref_squeeze %dma_start3A_678 : memref<1x128xi32, #tpu.memory_space<vmem>> -> memref<128xi32, #tpu.memory_space<vmem>>
      %dma_start3A_680 = arith.constant 0 : i32
      %dma_start3A_681 = tpu.memref_slice %arg12[%dma_start3A_680] : memref<1008xf32, #tpu.memory_space<vmem_shared>> -> memref<1008xf32, #tpu.memory_space<vmem_shared>>
      tpu.enqueue_indirect_dma source(%dma_start3A_676 : memref<128xf32, #tpu.memory_space<vmem>>) target(%dma_start3A_681 : memref<1008xf32, #tpu.memory_space<vmem_shared>>) offsets(%dma_start3A_679 : memref<128xi32, #tpu.memory_space<vmem>>) semaphore(%run_scoped3A_674 : memref<!tpu.dma_semaphore, #tpu.memory_space<semaphore_mem>>) {add = true}
      %dma_wait3A = arith.constant 0 : i32
      %dma_wait3A_682 = tpu.memref_slice %arg6[%run_scoped3A_646, %dma_wait3A] : memref<8x128xf32, #tpu.memory_space<vmem>> -> memref<1x128xf32, #tpu.memory_space<vmem>>
      %dma_wait3A_683 = tpu.memref_squeeze %dma_wait3A_682 : memref<1x128xf32, #tpu.memory_space<vmem>> -> memref<128xf32, #tpu.memory_space<vmem>>
      %dma_wait3A_684 = arith.constant 0 : i32
      %dma_wait3A_685 = tpu.memref_slice %arg5[%run_scoped3A_647, %dma_wait3A_684] : memref<8x128xi32, #tpu.memory_space<vmem>> -> memref<1x128xi32, #tpu.memory_space<vmem>>
      %dma_wait3A_686 = tpu.memref_squeeze %dma_wait3A_685 : memref<1x128xi32, #tpu.memory_space<vmem>> -> memref<128xi32, #tpu.memory_space<vmem>>
      %dma_wait3A_687 = arith.constant 0 : i32
      %dma_wait3A_688 = tpu.memref_slice %arg12[%dma_wait3A_687] : memref<1008xf32, #tpu.memory_space<vmem_shared>> -> memref<1008xf32, #tpu.memory_space<vmem_shared>>
      tpu.wait_indirect_dma semaphore(%run_scoped3A_674 : memref<!tpu.dma_semaphore, #tpu.memory_space<semaphore_mem>>) src(%dma_wait3A_683 : memref<128xf32, #tpu.memory_space<vmem>>) dst(%dma_wait3A_688 : memref<1008xf32, #tpu.memory_space<vmem_shared>>)
      tpu.yield
    }) : () -> ()
    %run_scoped3A_648 = arith.constant 3 : i32
    %run_scoped3A_649 = arith.constant 3 : i32
    "tpu.region"() ({
      %run_scoped3A_674 = tpu.sem_alloc : memref<!tpu.dma_semaphore, #tpu.memory_space<semaphore_mem>>
      %dma_start3A = arith.constant 0 : i32
      %dma_start3A_675 = tpu.memref_slice %arg7[%run_scoped3A_648, %dma_start3A] : memref<8x128xf32, #tpu.memory_space<vmem>> -> memref<1x128xf32, #tpu.memory_space<vmem>>
      %dma_start3A_676 = tpu.memref_squeeze %dma_start3A_675 : memref<1x128xf32, #tpu.memory_space<vmem>> -> memref<128xf32, #tpu.memory_space<vmem>>
      %dma_start3A_677 = arith.constant 0 : i32
      %dma_start3A_678 = tpu.memref_slice %arg5[%run_scoped3A_649, %dma_start3A_677] : memref<8x128xi32, #tpu.memory_space<vmem>> -> memref<1x128xi32, #tpu.memory_space<vmem>>
      %dma_start3A_679 = tpu.memref_squeeze %dma_start3A_678 : memref<1x128xi32, #tpu.memory_space<vmem>> -> memref<128xi32, #tpu.memory_space<vmem>>
      %dma_start3A_680 = arith.constant 0 : i32
      %dma_start3A_681 = tpu.memref_slice %arg11[%dma_start3A_680] : memref<1008xf32, #tpu.memory_space<vmem_shared>> -> memref<1008xf32, #tpu.memory_space<vmem_shared>>
      tpu.enqueue_indirect_dma source(%dma_start3A_676 : memref<128xf32, #tpu.memory_space<vmem>>) target(%dma_start3A_681 : memref<1008xf32, #tpu.memory_space<vmem_shared>>) offsets(%dma_start3A_679 : memref<128xi32, #tpu.memory_space<vmem>>) semaphore(%run_scoped3A_674 : memref<!tpu.dma_semaphore, #tpu.memory_space<semaphore_mem>>) {add = true}
      %dma_wait3A = arith.constant 0 : i32
      %dma_wait3A_682 = tpu.memref_slice %arg7[%run_scoped3A_648, %dma_wait3A] : memref<8x128xf32, #tpu.memory_space<vmem>> -> memref<1x128xf32, #tpu.memory_space<vmem>>
      %dma_wait3A_683 = tpu.memref_squeeze %dma_wait3A_682 : memref<1x128xf32, #tpu.memory_space<vmem>> -> memref<128xf32, #tpu.memory_space<vmem>>
      %dma_wait3A_684 = arith.constant 0 : i32
      %dma_wait3A_685 = tpu.memref_slice %arg5[%run_scoped3A_649, %dma_wait3A_684] : memref<8x128xi32, #tpu.memory_space<vmem>> -> memref<1x128xi32, #tpu.memory_space<vmem>>
      %dma_wait3A_686 = tpu.memref_squeeze %dma_wait3A_685 : memref<1x128xi32, #tpu.memory_space<vmem>> -> memref<128xi32, #tpu.memory_space<vmem>>
      %dma_wait3A_687 = arith.constant 0 : i32
      %dma_wait3A_688 = tpu.memref_slice %arg11[%dma_wait3A_687] : memref<1008xf32, #tpu.memory_space<vmem_shared>> -> memref<1008xf32, #tpu.memory_space<vmem_shared>>
      tpu.wait_indirect_dma semaphore(%run_scoped3A_674 : memref<!tpu.dma_semaphore, #tpu.memory_space<semaphore_mem>>) src(%dma_wait3A_683 : memref<128xf32, #tpu.memory_space<vmem>>) dst(%dma_wait3A_688 : memref<1008xf32, #tpu.memory_space<vmem_shared>>)
      tpu.yield
    }) : () -> ()
    %run_scoped3A_650 = arith.constant 3 : i32
    %run_scoped3A_651 = arith.constant 3 : i32
    "tpu.region"() ({
      %run_scoped3A_674 = tpu.sem_alloc : memref<!tpu.dma_semaphore, #tpu.memory_space<semaphore_mem>>
      %dma_start3A = arith.constant 0 : i32
      %dma_start3A_675 = tpu.memref_slice %arg6[%run_scoped3A_650, %dma_start3A] : memref<8x128xf32, #tpu.memory_space<vmem>> -> memref<1x128xf32, #tpu.memory_space<vmem>>
      %dma_start3A_676 = tpu.memref_squeeze %dma_start3A_675 : memref<1x128xf32, #tpu.memory_space<vmem>> -> memref<128xf32, #tpu.memory_space<vmem>>
      %dma_start3A_677 = arith.constant 0 : i32
      %dma_start3A_678 = tpu.memref_slice %arg5[%run_scoped3A_651, %dma_start3A_677] : memref<8x128xi32, #tpu.memory_space<vmem>> -> memref<1x128xi32, #tpu.memory_space<vmem>>
      %dma_start3A_679 = tpu.memref_squeeze %dma_start3A_678 : memref<1x128xi32, #tpu.memory_space<vmem>> -> memref<128xi32, #tpu.memory_space<vmem>>
      %dma_start3A_680 = arith.constant 0 : i32
      %dma_start3A_681 = tpu.memref_slice %arg12[%dma_start3A_680] : memref<1008xf32, #tpu.memory_space<vmem_shared>> -> memref<1008xf32, #tpu.memory_space<vmem_shared>>
      tpu.enqueue_indirect_dma source(%dma_start3A_676 : memref<128xf32, #tpu.memory_space<vmem>>) target(%dma_start3A_681 : memref<1008xf32, #tpu.memory_space<vmem_shared>>) offsets(%dma_start3A_679 : memref<128xi32, #tpu.memory_space<vmem>>) semaphore(%run_scoped3A_674 : memref<!tpu.dma_semaphore, #tpu.memory_space<semaphore_mem>>) {add = true}
      %dma_wait3A = arith.constant 0 : i32
      %dma_wait3A_682 = tpu.memref_slice %arg6[%run_scoped3A_650, %dma_wait3A] : memref<8x128xf32, #tpu.memory_space<vmem>> -> memref<1x128xf32, #tpu.memory_space<vmem>>
      %dma_wait3A_683 = tpu.memref_squeeze %dma_wait3A_682 : memref<1x128xf32, #tpu.memory_space<vmem>> -> memref<128xf32, #tpu.memory_space<vmem>>
      %dma_wait3A_684 = arith.constant 0 : i32
      %dma_wait3A_685 = tpu.memref_slice %arg5[%run_scoped3A_651, %dma_wait3A_684] : memref<8x128xi32, #tpu.memory_space<vmem>> -> memref<1x128xi32, #tpu.memory_space<vmem>>
      %dma_wait3A_686 = tpu.memref_squeeze %dma_wait3A_685 : memref<1x128xi32, #tpu.memory_space<vmem>> -> memref<128xi32, #tpu.memory_space<vmem>>
      %dma_wait3A_687 = arith.constant 0 : i32
      %dma_wait3A_688 = tpu.memref_slice %arg12[%dma_wait3A_687] : memref<1008xf32, #tpu.memory_space<vmem_shared>> -> memref<1008xf32, #tpu.memory_space<vmem_shared>>
      tpu.wait_indirect_dma semaphore(%run_scoped3A_674 : memref<!tpu.dma_semaphore, #tpu.memory_space<semaphore_mem>>) src(%dma_wait3A_683 : memref<128xf32, #tpu.memory_space<vmem>>) dst(%dma_wait3A_688 : memref<1008xf32, #tpu.memory_space<vmem_shared>>)
      tpu.yield
    }) : () -> ()
    %run_scoped3A_652 = arith.constant 4 : i32
    %run_scoped3A_653 = arith.constant 4 : i32
    "tpu.region"() ({
      %run_scoped3A_674 = tpu.sem_alloc : memref<!tpu.dma_semaphore, #tpu.memory_space<semaphore_mem>>
      %dma_start3A = arith.constant 0 : i32
      %dma_start3A_675 = tpu.memref_slice %arg7[%run_scoped3A_652, %dma_start3A] : memref<8x128xf32, #tpu.memory_space<vmem>> -> memref<1x128xf32, #tpu.memory_space<vmem>>
      %dma_start3A_676 = tpu.memref_squeeze %dma_start3A_675 : memref<1x128xf32, #tpu.memory_space<vmem>> -> memref<128xf32, #tpu.memory_space<vmem>>
      %dma_start3A_677 = arith.constant 0 : i32
      %dma_start3A_678 = tpu.memref_slice %arg5[%run_scoped3A_653, %dma_start3A_677] : memref<8x128xi32, #tpu.memory_space<vmem>> -> memref<1x128xi32, #tpu.memory_space<vmem>>
      %dma_start3A_679 = tpu.memref_squeeze %dma_start3A_678 : memref<1x128xi32, #tpu.memory_space<vmem>> -> memref<128xi32, #tpu.memory_space<vmem>>
      %dma_start3A_680 = arith.constant 0 : i32
      %dma_start3A_681 = tpu.memref_slice %arg11[%dma_start3A_680] : memref<1008xf32, #tpu.memory_space<vmem_shared>> -> memref<1008xf32, #tpu.memory_space<vmem_shared>>
      tpu.enqueue_indirect_dma source(%dma_start3A_676 : memref<128xf32, #tpu.memory_space<vmem>>) target(%dma_start3A_681 : memref<1008xf32, #tpu.memory_space<vmem_shared>>) offsets(%dma_start3A_679 : memref<128xi32, #tpu.memory_space<vmem>>) semaphore(%run_scoped3A_674 : memref<!tpu.dma_semaphore, #tpu.memory_space<semaphore_mem>>) {add = true}
      %dma_wait3A = arith.constant 0 : i32
      %dma_wait3A_682 = tpu.memref_slice %arg7[%run_scoped3A_652, %dma_wait3A] : memref<8x128xf32, #tpu.memory_space<vmem>> -> memref<1x128xf32, #tpu.memory_space<vmem>>
      %dma_wait3A_683 = tpu.memref_squeeze %dma_wait3A_682 : memref<1x128xf32, #tpu.memory_space<vmem>> -> memref<128xf32, #tpu.memory_space<vmem>>
      %dma_wait3A_684 = arith.constant 0 : i32
      %dma_wait3A_685 = tpu.memref_slice %arg5[%run_scoped3A_653, %dma_wait3A_684] : memref<8x128xi32, #tpu.memory_space<vmem>> -> memref<1x128xi32, #tpu.memory_space<vmem>>
      %dma_wait3A_686 = tpu.memref_squeeze %dma_wait3A_685 : memref<1x128xi32, #tpu.memory_space<vmem>> -> memref<128xi32, #tpu.memory_space<vmem>>
      %dma_wait3A_687 = arith.constant 0 : i32
      %dma_wait3A_688 = tpu.memref_slice %arg11[%dma_wait3A_687] : memref<1008xf32, #tpu.memory_space<vmem_shared>> -> memref<1008xf32, #tpu.memory_space<vmem_shared>>
      tpu.wait_indirect_dma semaphore(%run_scoped3A_674 : memref<!tpu.dma_semaphore, #tpu.memory_space<semaphore_mem>>) src(%dma_wait3A_683 : memref<128xf32, #tpu.memory_space<vmem>>) dst(%dma_wait3A_688 : memref<1008xf32, #tpu.memory_space<vmem_shared>>)
      tpu.yield
    }) : () -> ()
    %run_scoped3A_654 = arith.constant 4 : i32
    %run_scoped3A_655 = arith.constant 4 : i32
    "tpu.region"() ({
      %run_scoped3A_674 = tpu.sem_alloc : memref<!tpu.dma_semaphore, #tpu.memory_space<semaphore_mem>>
      %dma_start3A = arith.constant 0 : i32
      %dma_start3A_675 = tpu.memref_slice %arg6[%run_scoped3A_654, %dma_start3A] : memref<8x128xf32, #tpu.memory_space<vmem>> -> memref<1x128xf32, #tpu.memory_space<vmem>>
      %dma_start3A_676 = tpu.memref_squeeze %dma_start3A_675 : memref<1x128xf32, #tpu.memory_space<vmem>> -> memref<128xf32, #tpu.memory_space<vmem>>
      %dma_start3A_677 = arith.constant 0 : i32
      %dma_start3A_678 = tpu.memref_slice %arg5[%run_scoped3A_655, %dma_start3A_677] : memref<8x128xi32, #tpu.memory_space<vmem>> -> memref<1x128xi32, #tpu.memory_space<vmem>>
      %dma_start3A_679 = tpu.memref_squeeze %dma_start3A_678 : memref<1x128xi32, #tpu.memory_space<vmem>> -> memref<128xi32, #tpu.memory_space<vmem>>
      %dma_start3A_680 = arith.constant 0 : i32
      %dma_start3A_681 = tpu.memref_slice %arg12[%dma_start3A_680] : memref<1008xf32, #tpu.memory_space<vmem_shared>> -> memref<1008xf32, #tpu.memory_space<vmem_shared>>
      tpu.enqueue_indirect_dma source(%dma_start3A_676 : memref<128xf32, #tpu.memory_space<vmem>>) target(%dma_start3A_681 : memref<1008xf32, #tpu.memory_space<vmem_shared>>) offsets(%dma_start3A_679 : memref<128xi32, #tpu.memory_space<vmem>>) semaphore(%run_scoped3A_674 : memref<!tpu.dma_semaphore, #tpu.memory_space<semaphore_mem>>) {add = true}
      %dma_wait3A = arith.constant 0 : i32
      %dma_wait3A_682 = tpu.memref_slice %arg6[%run_scoped3A_654, %dma_wait3A] : memref<8x128xf32, #tpu.memory_space<vmem>> -> memref<1x128xf32, #tpu.memory_space<vmem>>
      %dma_wait3A_683 = tpu.memref_squeeze %dma_wait3A_682 : memref<1x128xf32, #tpu.memory_space<vmem>> -> memref<128xf32, #tpu.memory_space<vmem>>
      %dma_wait3A_684 = arith.constant 0 : i32
      %dma_wait3A_685 = tpu.memref_slice %arg5[%run_scoped3A_655, %dma_wait3A_684] : memref<8x128xi32, #tpu.memory_space<vmem>> -> memref<1x128xi32, #tpu.memory_space<vmem>>
      %dma_wait3A_686 = tpu.memref_squeeze %dma_wait3A_685 : memref<1x128xi32, #tpu.memory_space<vmem>> -> memref<128xi32, #tpu.memory_space<vmem>>
      %dma_wait3A_687 = arith.constant 0 : i32
      %dma_wait3A_688 = tpu.memref_slice %arg12[%dma_wait3A_687] : memref<1008xf32, #tpu.memory_space<vmem_shared>> -> memref<1008xf32, #tpu.memory_space<vmem_shared>>
      tpu.wait_indirect_dma semaphore(%run_scoped3A_674 : memref<!tpu.dma_semaphore, #tpu.memory_space<semaphore_mem>>) src(%dma_wait3A_683 : memref<128xf32, #tpu.memory_space<vmem>>) dst(%dma_wait3A_688 : memref<1008xf32, #tpu.memory_space<vmem_shared>>)
      tpu.yield
    }) : () -> ()
    %run_scoped3A_656 = arith.constant 5 : i32
    %run_scoped3A_657 = arith.constant 5 : i32
    "tpu.region"() ({
      %run_scoped3A_674 = tpu.sem_alloc : memref<!tpu.dma_semaphore, #tpu.memory_space<semaphore_mem>>
      %dma_start3A = arith.constant 0 : i32
      %dma_start3A_675 = tpu.memref_slice %arg7[%run_scoped3A_656, %dma_start3A] : memref<8x128xf32, #tpu.memory_space<vmem>> -> memref<1x128xf32, #tpu.memory_space<vmem>>
      %dma_start3A_676 = tpu.memref_squeeze %dma_start3A_675 : memref<1x128xf32, #tpu.memory_space<vmem>> -> memref<128xf32, #tpu.memory_space<vmem>>
      %dma_start3A_677 = arith.constant 0 : i32
      %dma_start3A_678 = tpu.memref_slice %arg5[%run_scoped3A_657, %dma_start3A_677] : memref<8x128xi32, #tpu.memory_space<vmem>> -> memref<1x128xi32, #tpu.memory_space<vmem>>
      %dma_start3A_679 = tpu.memref_squeeze %dma_start3A_678 : memref<1x128xi32, #tpu.memory_space<vmem>> -> memref<128xi32, #tpu.memory_space<vmem>>
      %dma_start3A_680 = arith.constant 0 : i32
      %dma_start3A_681 = tpu.memref_slice %arg11[%dma_start3A_680] : memref<1008xf32, #tpu.memory_space<vmem_shared>> -> memref<1008xf32, #tpu.memory_space<vmem_shared>>
      tpu.enqueue_indirect_dma source(%dma_start3A_676 : memref<128xf32, #tpu.memory_space<vmem>>) target(%dma_start3A_681 : memref<1008xf32, #tpu.memory_space<vmem_shared>>) offsets(%dma_start3A_679 : memref<128xi32, #tpu.memory_space<vmem>>) semaphore(%run_scoped3A_674 : memref<!tpu.dma_semaphore, #tpu.memory_space<semaphore_mem>>) {add = true}
      %dma_wait3A = arith.constant 0 : i32
      %dma_wait3A_682 = tpu.memref_slice %arg7[%run_scoped3A_656, %dma_wait3A] : memref<8x128xf32, #tpu.memory_space<vmem>> -> memref<1x128xf32, #tpu.memory_space<vmem>>
      %dma_wait3A_683 = tpu.memref_squeeze %dma_wait3A_682 : memref<1x128xf32, #tpu.memory_space<vmem>> -> memref<128xf32, #tpu.memory_space<vmem>>
      %dma_wait3A_684 = arith.constant 0 : i32
      %dma_wait3A_685 = tpu.memref_slice %arg5[%run_scoped3A_657, %dma_wait3A_684] : memref<8x128xi32, #tpu.memory_space<vmem>> -> memref<1x128xi32, #tpu.memory_space<vmem>>
      %dma_wait3A_686 = tpu.memref_squeeze %dma_wait3A_685 : memref<1x128xi32, #tpu.memory_space<vmem>> -> memref<128xi32, #tpu.memory_space<vmem>>
      %dma_wait3A_687 = arith.constant 0 : i32
      %dma_wait3A_688 = tpu.memref_slice %arg11[%dma_wait3A_687] : memref<1008xf32, #tpu.memory_space<vmem_shared>> -> memref<1008xf32, #tpu.memory_space<vmem_shared>>
      tpu.wait_indirect_dma semaphore(%run_scoped3A_674 : memref<!tpu.dma_semaphore, #tpu.memory_space<semaphore_mem>>) src(%dma_wait3A_683 : memref<128xf32, #tpu.memory_space<vmem>>) dst(%dma_wait3A_688 : memref<1008xf32, #tpu.memory_space<vmem_shared>>)
      tpu.yield
    }) : () -> ()
    %run_scoped3A_658 = arith.constant 5 : i32
    %run_scoped3A_659 = arith.constant 5 : i32
    "tpu.region"() ({
      %run_scoped3A_674 = tpu.sem_alloc : memref<!tpu.dma_semaphore, #tpu.memory_space<semaphore_mem>>
      %dma_start3A = arith.constant 0 : i32
      %dma_start3A_675 = tpu.memref_slice %arg6[%run_scoped3A_658, %dma_start3A] : memref<8x128xf32, #tpu.memory_space<vmem>> -> memref<1x128xf32, #tpu.memory_space<vmem>>
      %dma_start3A_676 = tpu.memref_squeeze %dma_start3A_675 : memref<1x128xf32, #tpu.memory_space<vmem>> -> memref<128xf32, #tpu.memory_space<vmem>>
      %dma_start3A_677 = arith.constant 0 : i32
      %dma_start3A_678 = tpu.memref_slice %arg5[%run_scoped3A_659, %dma_start3A_677] : memref<8x128xi32, #tpu.memory_space<vmem>> -> memref<1x128xi32, #tpu.memory_space<vmem>>
      %dma_start3A_679 = tpu.memref_squeeze %dma_start3A_678 : memref<1x128xi32, #tpu.memory_space<vmem>> -> memref<128xi32, #tpu.memory_space<vmem>>
      %dma_start3A_680 = arith.constant 0 : i32
      %dma_start3A_681 = tpu.memref_slice %arg12[%dma_start3A_680] : memref<1008xf32, #tpu.memory_space<vmem_shared>> -> memref<1008xf32, #tpu.memory_space<vmem_shared>>
      tpu.enqueue_indirect_dma source(%dma_start3A_676 : memref<128xf32, #tpu.memory_space<vmem>>) target(%dma_start3A_681 : memref<1008xf32, #tpu.memory_space<vmem_shared>>) offsets(%dma_start3A_679 : memref<128xi32, #tpu.memory_space<vmem>>) semaphore(%run_scoped3A_674 : memref<!tpu.dma_semaphore, #tpu.memory_space<semaphore_mem>>) {add = true}
      %dma_wait3A = arith.constant 0 : i32
      %dma_wait3A_682 = tpu.memref_slice %arg6[%run_scoped3A_658, %dma_wait3A] : memref<8x128xf32, #tpu.memory_space<vmem>> -> memref<1x128xf32, #tpu.memory_space<vmem>>
      %dma_wait3A_683 = tpu.memref_squeeze %dma_wait3A_682 : memref<1x128xf32, #tpu.memory_space<vmem>> -> memref<128xf32, #tpu.memory_space<vmem>>
      %dma_wait3A_684 = arith.constant 0 : i32
      %dma_wait3A_685 = tpu.memref_slice %arg5[%run_scoped3A_659, %dma_wait3A_684] : memref<8x128xi32, #tpu.memory_space<vmem>> -> memref<1x128xi32, #tpu.memory_space<vmem>>
      %dma_wait3A_686 = tpu.memref_squeeze %dma_wait3A_685 : memref<1x128xi32, #tpu.memory_space<vmem>> -> memref<128xi32, #tpu.memory_space<vmem>>
      %dma_wait3A_687 = arith.constant 0 : i32
      %dma_wait3A_688 = tpu.memref_slice %arg12[%dma_wait3A_687] : memref<1008xf32, #tpu.memory_space<vmem_shared>> -> memref<1008xf32, #tpu.memory_space<vmem_shared>>
      tpu.wait_indirect_dma semaphore(%run_scoped3A_674 : memref<!tpu.dma_semaphore, #tpu.memory_space<semaphore_mem>>) src(%dma_wait3A_683 : memref<128xf32, #tpu.memory_space<vmem>>) dst(%dma_wait3A_688 : memref<1008xf32, #tpu.memory_space<vmem_shared>>)
      tpu.yield
    }) : () -> ()
    %run_scoped3A_660 = arith.constant 6 : i32
    %run_scoped3A_661 = arith.constant 6 : i32
    "tpu.region"() ({
      %run_scoped3A_674 = tpu.sem_alloc : memref<!tpu.dma_semaphore, #tpu.memory_space<semaphore_mem>>
      %dma_start3A = arith.constant 0 : i32
      %dma_start3A_675 = tpu.memref_slice %arg7[%run_scoped3A_660, %dma_start3A] : memref<8x128xf32, #tpu.memory_space<vmem>> -> memref<1x128xf32, #tpu.memory_space<vmem>>
      %dma_start3A_676 = tpu.memref_squeeze %dma_start3A_675 : memref<1x128xf32, #tpu.memory_space<vmem>> -> memref<128xf32, #tpu.memory_space<vmem>>
      %dma_start3A_677 = arith.constant 0 : i32
      %dma_start3A_678 = tpu.memref_slice %arg5[%run_scoped3A_661, %dma_start3A_677] : memref<8x128xi32, #tpu.memory_space<vmem>> -> memref<1x128xi32, #tpu.memory_space<vmem>>
      %dma_start3A_679 = tpu.memref_squeeze %dma_start3A_678 : memref<1x128xi32, #tpu.memory_space<vmem>> -> memref<128xi32, #tpu.memory_space<vmem>>
      %dma_start3A_680 = arith.constant 0 : i32
      %dma_start3A_681 = tpu.memref_slice %arg11[%dma_start3A_680] : memref<1008xf32, #tpu.memory_space<vmem_shared>> -> memref<1008xf32, #tpu.memory_space<vmem_shared>>
      tpu.enqueue_indirect_dma source(%dma_start3A_676 : memref<128xf32, #tpu.memory_space<vmem>>) target(%dma_start3A_681 : memref<1008xf32, #tpu.memory_space<vmem_shared>>) offsets(%dma_start3A_679 : memref<128xi32, #tpu.memory_space<vmem>>) semaphore(%run_scoped3A_674 : memref<!tpu.dma_semaphore, #tpu.memory_space<semaphore_mem>>) {add = true}
      %dma_wait3A = arith.constant 0 : i32
      %dma_wait3A_682 = tpu.memref_slice %arg7[%run_scoped3A_660, %dma_wait3A] : memref<8x128xf32, #tpu.memory_space<vmem>> -> memref<1x128xf32, #tpu.memory_space<vmem>>
      %dma_wait3A_683 = tpu.memref_squeeze %dma_wait3A_682 : memref<1x128xf32, #tpu.memory_space<vmem>> -> memref<128xf32, #tpu.memory_space<vmem>>
      %dma_wait3A_684 = arith.constant 0 : i32
      %dma_wait3A_685 = tpu.memref_slice %arg5[%run_scoped3A_661, %dma_wait3A_684] : memref<8x128xi32, #tpu.memory_space<vmem>> -> memref<1x128xi32, #tpu.memory_space<vmem>>
      %dma_wait3A_686 = tpu.memref_squeeze %dma_wait3A_685 : memref<1x128xi32, #tpu.memory_space<vmem>> -> memref<128xi32, #tpu.memory_space<vmem>>
      %dma_wait3A_687 = arith.constant 0 : i32
      %dma_wait3A_688 = tpu.memref_slice %arg11[%dma_wait3A_687] : memref<1008xf32, #tpu.memory_space<vmem_shared>> -> memref<1008xf32, #tpu.memory_space<vmem_shared>>
      tpu.wait_indirect_dma semaphore(%run_scoped3A_674 : memref<!tpu.dma_semaphore, #tpu.memory_space<semaphore_mem>>) src(%dma_wait3A_683 : memref<128xf32, #tpu.memory_space<vmem>>) dst(%dma_wait3A_688 : memref<1008xf32, #tpu.memory_space<vmem_shared>>)
      tpu.yield
    }) : () -> ()
    %run_scoped3A_662 = arith.constant 6 : i32
    %run_scoped3A_663 = arith.constant 6 : i32
    "tpu.region"() ({
      %run_scoped3A_674 = tpu.sem_alloc : memref<!tpu.dma_semaphore, #tpu.memory_space<semaphore_mem>>
      %dma_start3A = arith.constant 0 : i32
      %dma_start3A_675 = tpu.memref_slice %arg6[%run_scoped3A_662, %dma_start3A] : memref<8x128xf32, #tpu.memory_space<vmem>> -> memref<1x128xf32, #tpu.memory_space<vmem>>
      %dma_start3A_676 = tpu.memref_squeeze %dma_start3A_675 : memref<1x128xf32, #tpu.memory_space<vmem>> -> memref<128xf32, #tpu.memory_space<vmem>>
      %dma_start3A_677 = arith.constant 0 : i32
      %dma_start3A_678 = tpu.memref_slice %arg5[%run_scoped3A_663, %dma_start3A_677] : memref<8x128xi32, #tpu.memory_space<vmem>> -> memref<1x128xi32, #tpu.memory_space<vmem>>
      %dma_start3A_679 = tpu.memref_squeeze %dma_start3A_678 : memref<1x128xi32, #tpu.memory_space<vmem>> -> memref<128xi32, #tpu.memory_space<vmem>>
      %dma_start3A_680 = arith.constant 0 : i32
      %dma_start3A_681 = tpu.memref_slice %arg12[%dma_start3A_680] : memref<1008xf32, #tpu.memory_space<vmem_shared>> -> memref<1008xf32, #tpu.memory_space<vmem_shared>>
      tpu.enqueue_indirect_dma source(%dma_start3A_676 : memref<128xf32, #tpu.memory_space<vmem>>) target(%dma_start3A_681 : memref<1008xf32, #tpu.memory_space<vmem_shared>>) offsets(%dma_start3A_679 : memref<128xi32, #tpu.memory_space<vmem>>) semaphore(%run_scoped3A_674 : memref<!tpu.dma_semaphore, #tpu.memory_space<semaphore_mem>>) {add = true}
      %dma_wait3A = arith.constant 0 : i32
      %dma_wait3A_682 = tpu.memref_slice %arg6[%run_scoped3A_662, %dma_wait3A] : memref<8x128xf32, #tpu.memory_space<vmem>> -> memref<1x128xf32, #tpu.memory_space<vmem>>
      %dma_wait3A_683 = tpu.memref_squeeze %dma_wait3A_682 : memref<1x128xf32, #tpu.memory_space<vmem>> -> memref<128xf32, #tpu.memory_space<vmem>>
      %dma_wait3A_684 = arith.constant 0 : i32
      %dma_wait3A_685 = tpu.memref_slice %arg5[%run_scoped3A_663, %dma_wait3A_684] : memref<8x128xi32, #tpu.memory_space<vmem>> -> memref<1x128xi32, #tpu.memory_space<vmem>>
      %dma_wait3A_686 = tpu.memref_squeeze %dma_wait3A_685 : memref<1x128xi32, #tpu.memory_space<vmem>> -> memref<128xi32, #tpu.memory_space<vmem>>
      %dma_wait3A_687 = arith.constant 0 : i32
      %dma_wait3A_688 = tpu.memref_slice %arg12[%dma_wait3A_687] : memref<1008xf32, #tpu.memory_space<vmem_shared>> -> memref<1008xf32, #tpu.memory_space<vmem_shared>>
      tpu.wait_indirect_dma semaphore(%run_scoped3A_674 : memref<!tpu.dma_semaphore, #tpu.memory_space<semaphore_mem>>) src(%dma_wait3A_683 : memref<128xf32, #tpu.memory_space<vmem>>) dst(%dma_wait3A_688 : memref<1008xf32, #tpu.memory_space<vmem_shared>>)
      tpu.yield
    }) : () -> ()
    %run_scoped3A_664 = arith.constant 7 : i32
    %run_scoped3A_665 = arith.constant 7 : i32
    "tpu.region"() ({
      %run_scoped3A_674 = tpu.sem_alloc : memref<!tpu.dma_semaphore, #tpu.memory_space<semaphore_mem>>
      %dma_start3A = arith.constant 0 : i32
      %dma_start3A_675 = tpu.memref_slice %arg7[%run_scoped3A_664, %dma_start3A] : memref<8x128xf32, #tpu.memory_space<vmem>> -> memref<1x128xf32, #tpu.memory_space<vmem>>
      %dma_start3A_676 = tpu.memref_squeeze %dma_start3A_675 : memref<1x128xf32, #tpu.memory_space<vmem>> -> memref<128xf32, #tpu.memory_space<vmem>>
      %dma_start3A_677 = arith.constant 0 : i32
      %dma_start3A_678 = tpu.memref_slice %arg5[%run_scoped3A_665, %dma_start3A_677] : memref<8x128xi32, #tpu.memory_space<vmem>> -> memref<1x128xi32, #tpu.memory_space<vmem>>
      %dma_start3A_679 = tpu.memref_squeeze %dma_start3A_678 : memref<1x128xi32, #tpu.memory_space<vmem>> -> memref<128xi32, #tpu.memory_space<vmem>>
      %dma_start3A_680 = arith.constant 0 : i32
      %dma_start3A_681 = tpu.memref_slice %arg11[%dma_start3A_680] : memref<1008xf32, #tpu.memory_space<vmem_shared>> -> memref<1008xf32, #tpu.memory_space<vmem_shared>>
      tpu.enqueue_indirect_dma source(%dma_start3A_676 : memref<128xf32, #tpu.memory_space<vmem>>) target(%dma_start3A_681 : memref<1008xf32, #tpu.memory_space<vmem_shared>>) offsets(%dma_start3A_679 : memref<128xi32, #tpu.memory_space<vmem>>) semaphore(%run_scoped3A_674 : memref<!tpu.dma_semaphore, #tpu.memory_space<semaphore_mem>>) {add = true}
      %dma_wait3A = arith.constant 0 : i32
      %dma_wait3A_682 = tpu.memref_slice %arg7[%run_scoped3A_664, %dma_wait3A] : memref<8x128xf32, #tpu.memory_space<vmem>> -> memref<1x128xf32, #tpu.memory_space<vmem>>
      %dma_wait3A_683 = tpu.memref_squeeze %dma_wait3A_682 : memref<1x128xf32, #tpu.memory_space<vmem>> -> memref<128xf32, #tpu.memory_space<vmem>>
      %dma_wait3A_684 = arith.constant 0 : i32
      %dma_wait3A_685 = tpu.memref_slice %arg5[%run_scoped3A_665, %dma_wait3A_684] : memref<8x128xi32, #tpu.memory_space<vmem>> -> memref<1x128xi32, #tpu.memory_space<vmem>>
      %dma_wait3A_686 = tpu.memref_squeeze %dma_wait3A_685 : memref<1x128xi32, #tpu.memory_space<vmem>> -> memref<128xi32, #tpu.memory_space<vmem>>
      %dma_wait3A_687 = arith.constant 0 : i32
      %dma_wait3A_688 = tpu.memref_slice %arg11[%dma_wait3A_687] : memref<1008xf32, #tpu.memory_space<vmem_shared>> -> memref<1008xf32, #tpu.memory_space<vmem_shared>>
      tpu.wait_indirect_dma semaphore(%run_scoped3A_674 : memref<!tpu.dma_semaphore, #tpu.memory_space<semaphore_mem>>) src(%dma_wait3A_683 : memref<128xf32, #tpu.memory_space<vmem>>) dst(%dma_wait3A_688 : memref<1008xf32, #tpu.memory_space<vmem_shared>>)
      tpu.yield
    }) : () -> ()
    %run_scoped3A_666 = arith.constant 7 : i32
    %run_scoped3A_667 = arith.constant 7 : i32
    "tpu.region"() ({
      %run_scoped3A_674 = tpu.sem_alloc : memref<!tpu.dma_semaphore, #tpu.memory_space<semaphore_mem>>
      %dma_start3A = arith.constant 0 : i32
      %dma_start3A_675 = tpu.memref_slice %arg6[%run_scoped3A_666, %dma_start3A] : memref<8x128xf32, #tpu.memory_space<vmem>> -> memref<1x128xf32, #tpu.memory_space<vmem>>
      %dma_start3A_676 = tpu.memref_squeeze %dma_start3A_675 : memref<1x128xf32, #tpu.memory_space<vmem>> -> memref<128xf32, #tpu.memory_space<vmem>>
      %dma_start3A_677 = arith.constant 0 : i32
      %dma_start3A_678 = tpu.memref_slice %arg5[%run_scoped3A_667, %dma_start3A_677] : memref<8x128xi32, #tpu.memory_space<vmem>> -> memref<1x128xi32, #tpu.memory_space<vmem>>
      %dma_start3A_679 = tpu.memref_squeeze %dma_start3A_678 : memref<1x128xi32, #tpu.memory_space<vmem>> -> memref<128xi32, #tpu.memory_space<vmem>>
      %dma_start3A_680 = arith.constant 0 : i32
      %dma_start3A_681 = tpu.memref_slice %arg12[%dma_start3A_680] : memref<1008xf32, #tpu.memory_space<vmem_shared>> -> memref<1008xf32, #tpu.memory_space<vmem_shared>>
      tpu.enqueue_indirect_dma source(%dma_start3A_676 : memref<128xf32, #tpu.memory_space<vmem>>) target(%dma_start3A_681 : memref<1008xf32, #tpu.memory_space<vmem_shared>>) offsets(%dma_start3A_679 : memref<128xi32, #tpu.memory_space<vmem>>) semaphore(%run_scoped3A_674 : memref<!tpu.dma_semaphore, #tpu.memory_space<semaphore_mem>>) {add = true}
      %dma_wait3A = arith.constant 0 : i32
      %dma_wait3A_682 = tpu.memref_slice %arg6[%run_scoped3A_666, %dma_wait3A] : memref<8x128xf32, #tpu.memory_space<vmem>> -> memref<1x128xf32, #tpu.memory_space<vmem>>
      %dma_wait3A_683 = tpu.memref_squeeze %dma_wait3A_682 : memref<1x128xf32, #tpu.memory_space<vmem>> -> memref<128xf32, #tpu.memory_space<vmem>>
      %dma_wait3A_684 = arith.constant 0 : i32
      %dma_wait3A_685 = tpu.memref_slice %arg5[%run_scoped3A_667, %dma_wait3A_684] : memref<8x128xi32, #tpu.memory_space<vmem>> -> memref<1x128xi32, #tpu.memory_space<vmem>>
      %dma_wait3A_686 = tpu.memref_squeeze %dma_wait3A_685 : memref<1x128xi32, #tpu.memory_space<vmem>> -> memref<128xi32, #tpu.memory_space<vmem>>
      %dma_wait3A_687 = arith.constant 0 : i32
      %dma_wait3A_688 = tpu.memref_slice %arg12[%dma_wait3A_687] : memref<1008xf32, #tpu.memory_space<vmem_shared>> -> memref<1008xf32, #tpu.memory_space<vmem_shared>>
      tpu.wait_indirect_dma semaphore(%run_scoped3A_674 : memref<!tpu.dma_semaphore, #tpu.memory_space<semaphore_mem>>) src(%dma_wait3A_683 : memref<128xf32, #tpu.memory_space<vmem>>) dst(%dma_wait3A_688 : memref<1008xf32, #tpu.memory_space<vmem_shared>>)
      tpu.yield
    }) : () -> ()
    %barrier3A_668 = arith.constant 0 : index
    tpu.barrier barrier_id(%barrier3A_668)
    %eq3A_669 = arith.constant 0 : i32
    %eq3A_670 = arith.cmpi eq, %arg1, %eq3A_669 : i32
    %convert_element_type3A_671 = arith.extui %eq3A_670 : i1 to i32
    %cond3A_672 = arith.constant 0 : i32
    %cond3A_673 = arith.cmpi ne, %convert_element_type3A_671, %cond3A_672 : i32
    scf.if %cond3A_673 {
      %run_scoped3A_674 = arith.constant 0 : i32
      "tpu.region"() ({
        %run_scoped3A_691 = tpu.sem_alloc : memref<!tpu.dma_semaphore, #tpu.memory_space<semaphore_mem>>
        %dma_start3A = arith.constant 0 : i32
        %dma_start3A_692 = tpu.memref_slice %arg9[%run_scoped3A_674, %dma_start3A] : memref<2x1008xf32, #tpu.memory_space<vmem>> -> memref<1x1008xf32, #tpu.memory_space<vmem>>
        %dma_start3A_693 = tpu.memref_squeeze %dma_start3A_692 : memref<1x1008xf32, #tpu.memory_space<vmem>> -> memref<1008xf32, #tpu.memory_space<vmem>>
        %dma_start3A_694 = arith.constant 0 : i32
        %dma_start3A_695 = tpu.memref_slice %arg9[%run_scoped3A_674, %dma_start3A_694] : memref<2x1008xf32, #tpu.memory_space<vmem>> -> memref<1x1008xf32, #tpu.memory_space<vmem>>
        %dma_start3A_696 = tpu.memref_squeeze %dma_start3A_695 : memref<1x1008xf32, #tpu.memory_space<vmem>> -> memref<1008xf32, #tpu.memory_space<vmem>>
        tpu.enqueue_dma source(%arg11 : memref<1008xf32, #tpu.memory_space<vmem_shared>>) target(%dma_start3A_696 : memref<1008xf32, #tpu.memory_space<vmem>>) target_semaphore(%run_scoped3A_691 : memref<!tpu.dma_semaphore, #tpu.memory_space<semaphore_mem>>)
        %dma_wait3A = arith.constant 0 : i32
        %dma_wait3A_697 = tpu.memref_slice %arg9[%run_scoped3A_674, %dma_wait3A] : memref<2x1008xf32, #tpu.memory_space<vmem>> -> memref<1x1008xf32, #tpu.memory_space<vmem>>
        %dma_wait3A_698 = tpu.memref_squeeze %dma_wait3A_697 : memref<1x1008xf32, #tpu.memory_space<vmem>> -> memref<1008xf32, #tpu.memory_space<vmem>>
        %dma_wait3A_699 = arith.constant 0 : i32
        %dma_wait3A_700 = tpu.memref_slice %arg9[%run_scoped3A_674, %dma_wait3A_699] : memref<2x1008xf32, #tpu.memory_space<vmem>> -> memref<1x1008xf32, #tpu.memory_space<vmem>>
        %dma_wait3A_701 = tpu.memref_squeeze %dma_wait3A_700 : memref<1x1008xf32, #tpu.memory_space<vmem>> -> memref<1008xf32, #tpu.memory_space<vmem>>
        tpu.wait_dma2 semaphore(%run_scoped3A_691 : memref<!tpu.dma_semaphore, #tpu.memory_space<semaphore_mem>>) src(%arg11 : memref<1008xf32, #tpu.memory_space<vmem_shared>>) dst(%dma_wait3A_701 : memref<1008xf32, #tpu.memory_space<vmem>>)
        tpu.yield
      }) : () -> ()
      %run_scoped3A_675 = arith.constant 1 : i32
      "tpu.region"() ({
        %run_scoped3A_691 = tpu.sem_alloc : memref<!tpu.dma_semaphore, #tpu.memory_space<semaphore_mem>>
        %dma_start3A = arith.constant 0 : i32
        %dma_start3A_692 = tpu.memref_slice %arg9[%run_scoped3A_675, %dma_start3A] : memref<2x1008xf32, #tpu.memory_space<vmem>> -> memref<1x1008xf32, #tpu.memory_space<vmem>>
        %dma_start3A_693 = tpu.memref_squeeze %dma_start3A_692 : memref<1x1008xf32, #tpu.memory_space<vmem>> -> memref<1008xf32, #tpu.memory_space<vmem>>
        %dma_start3A_694 = arith.constant 0 : i32
        %dma_start3A_695 = tpu.memref_slice %arg9[%run_scoped3A_675, %dma_start3A_694] : memref<2x1008xf32, #tpu.memory_space<vmem>> -> memref<1x1008xf32, #tpu.memory_space<vmem>>
        %dma_start3A_696 = tpu.memref_squeeze %dma_start3A_695 : memref<1x1008xf32, #tpu.memory_space<vmem>> -> memref<1008xf32, #tpu.memory_space<vmem>>
        tpu.enqueue_dma source(%arg12 : memref<1008xf32, #tpu.memory_space<vmem_shared>>) target(%dma_start3A_696 : memref<1008xf32, #tpu.memory_space<vmem>>) target_semaphore(%run_scoped3A_691 : memref<!tpu.dma_semaphore, #tpu.memory_space<semaphore_mem>>)
        %dma_wait3A = arith.constant 0 : i32
        %dma_wait3A_697 = tpu.memref_slice %arg9[%run_scoped3A_675, %dma_wait3A] : memref<2x1008xf32, #tpu.memory_space<vmem>> -> memref<1x1008xf32, #tpu.memory_space<vmem>>
        %dma_wait3A_698 = tpu.memref_squeeze %dma_wait3A_697 : memref<1x1008xf32, #tpu.memory_space<vmem>> -> memref<1008xf32, #tpu.memory_space<vmem>>
        %dma_wait3A_699 = arith.constant 0 : i32
        %dma_wait3A_700 = tpu.memref_slice %arg9[%run_scoped3A_675, %dma_wait3A_699] : memref<2x1008xf32, #tpu.memory_space<vmem>> -> memref<1x1008xf32, #tpu.memory_space<vmem>>
        %dma_wait3A_701 = tpu.memref_squeeze %dma_wait3A_700 : memref<1x1008xf32, #tpu.memory_space<vmem>> -> memref<1008xf32, #tpu.memory_space<vmem>>
        tpu.wait_dma2 semaphore(%run_scoped3A_691 : memref<!tpu.dma_semaphore, #tpu.memory_space<semaphore_mem>>) src(%arg12 : memref<1008xf32, #tpu.memory_space<vmem_shared>>) dst(%dma_wait3A_701 : memref<1008xf32, #tpu.memory_space<vmem>>)
        tpu.yield
      }) : () -> ()
      %broadcast_in_dim3A_676 = arith.constant 0.000000e+00 : f32
      %broadcast_in_dim3A_677 = vector.broadcast %broadcast_in_dim3A_676 : f32 to vector<16xf32>
      %scan3A = arith.constant 0 : i32
      %scan3A_678 = arith.constant 63 : i32
      %scan3A_679 = arith.addi %scan3A, %scan3A_678 : i32
      %scan3A_680 = arith.constant 1 : i32
      %scan3A_681 = scf.for %scan3A_691 = %scan3A to %scan3A_679 step %scan3A_680 iter_args(%scan3A_692 = %broadcast_in_dim3A_677) -> (vector<16xf32>)  : i32 {
        %mul3A_693 = arith.constant 16 : i32
        %mul3A_694 = arith.muli %scan3A_691, %mul3A_693 : i32
        %get3A = arith.constant 0 : i32
        %get3A_695 = arith.index_cast %get3A : i32 to index
        %get3A_696 = arith.index_cast %mul3A_694 : i32 to index
        %get3A_697 = tpu.vector_load %arg9[%get3A_695, %get3A_696] {strides = array<i32>} : memref<2x1008xf32, #tpu.memory_space<vmem>>, vector<16xf32>,
        %mul3A_698 = arith.constant 6.10351563E-5 : f32
        %mul3A_699 = vector.broadcast %mul3A_698 : f32 to vector<16xf32>
        %mul3A_700 = arith.mulf %get3A_697, %mul3A_699 : vector<16xf32>
        %sub3A = arith.constant 1.000000e+00 : f32
        %sub3A_701 = vector.broadcast %sub3A : f32 to vector<16xf32>
        %sub3A_702 = arith.subf %sub3A_701, %mul3A_700 : vector<16xf32>
        %get3A_703 = arith.constant 1 : i32
        %get3A_704 = arith.index_cast %get3A_703 : i32 to index
        %get3A_705 = arith.index_cast %mul3A_694 : i32 to index
        %get3A_706 = tpu.vector_load %arg9[%get3A_704, %get3A_705] {strides = array<i32>} : memref<2x1008xf32, #tpu.memory_space<vmem>>, vector<16xf32>,
        %mul3A_707 = arith.mulf %sub3A_702, %get3A_706 : vector<16xf32>
        %add3A = arith.addf %scan3A_692, %mul3A_707 : vector<16xf32>
        scf.yield %add3A : vector<16xf32>
      }
      %scan3A_682 = arith.constant 63 : i32
      %reduce_sum3A = arith.constant true
      %reduce_sum3A_683 = vector.broadcast %reduce_sum3A : i1 to vector<16xi1>
      %reduce_sum3A_684 = tpu.scan <sum>, %scan3A_681 masked %reduce_sum3A_683 : vector<16xf32>, vector<16xi1> -> vector<16xf32>
      %reduce_sum3A_685 = vector.extract %reduce_sum3A_684[15] : f32 from vector<16xf32>
      %mul3A_686 = arith.constant 6.10351563E-5 : f32
      %mul3A_687 = arith.mulf %reduce_sum3A_685, %mul3A_686 : f32
      %broadcast_in_dim3A_688 = vector.broadcast %mul3A_687 : f32 to vector<16xf32>
      %swap3A_689 = arith.constant 0 : index
      %swap3A_690 = tpu.vector_load %arg10[%swap3A_689] {strides = array<i32>} : memref<16xf32, #tpu.memory_space<vmem>>, vector<16xf32>,
      tpu.vector_store %arg10[%swap3A_689], %broadcast_in_dim3A_688 {strides = array<i32>} : memref<16xf32, #tpu.memory_space<vmem>>, vector<16xf32>,
      "tpu.region"() ({
        %run_scoped3A_691 = tpu.sem_alloc : memref<!tpu.dma_semaphore, #tpu.memory_space<semaphore_mem>>
        tpu.enqueue_dma source(%arg10 : memref<16xf32, #tpu.memory_space<vmem>>) target(%arg4 : memref<16xf32, #tpu.memory_space<hbm>>) target_semaphore(%run_scoped3A_691 : memref<!tpu.dma_semaphore, #tpu.memory_space<semaphore_mem>>)
        tpu.wait_dma2 semaphore(%run_scoped3A_691 : memref<!tpu.dma_semaphore, #tpu.memory_space<semaphore_mem>>) src(%arg10 : memref<16xf32, #tpu.memory_space<vmem>>) dst(%arg4 : memref<16xf32, #tpu.memory_space<hbm>>)
        tpu.yield
      }) : () -> ()
    } else {
    }
    return
  }
}

module attributes {stable_mosaic.version = 14 : i64} {
  func.func @_dense_body(%arg0: i32, %arg1: memref<1024x1000xf32, #tpu.memory_space<vmem>>, %arg2: memref<1024x1000xf32, #tpu.memory_space<vmem>>, %arg3: memref<1024x1xi32, #tpu.memory_space<vmem>>, %arg4: memref<1024x1xi32, #tpu.memory_space<vmem>>, %arg5: memref<1x8x128xf32, #tpu.memory_space<vmem>>, %arg6: memref<1x8x128xf32, #tpu.memory_space<vmem>>) attributes {dimension_semantics = [#tpu.dimension_semantics<arbitrary>], iteration_bounds = array<i64: 8>, scalar_prefetch = 0 : i64, scratch_operands = 0 : i64, tpu.core_type = #tpu.core_type<tc>, window_params = [{transform_indices = @transform_0, window_bounds = array<i64: 1024, 1000>}, {transform_indices = @transform_1, window_bounds = array<i64: 1024, 1000>}, {transform_indices = @transform_2, window_bounds = array<i64: 1024, 1>}, {transform_indices = @transform_3, window_bounds = array<i64: 1024, 1>}, {transform_indices = @transform_4, window_bounds = array<i64: 1, 8, 128>}, {transform_indices = @transform_5, window_bounds = array<i64: 1, 8, 128>}]} {
    %get3A = arith.constant 0 : index
    %get3A_0 = arith.constant 0 : index
    %get3A_1 = vector.load %arg1[%get3A, %get3A_0] : memref<1024x1000xf32, #tpu.memory_space<vmem>>, vector<1024x1000xf32>
    %get3A_2 = arith.constant 0 : index
    %get3A_3 = arith.constant 0 : index
    %get3A_4 = vector.load %arg3[%get3A_2, %get3A_3] : memref<1024x1xi32, #tpu.memory_space<vmem>>, vector<1024x1xi32>
    %reduce_max3A = arith.constant dense<0xFF800000> : vector<1024xf32>
    %reduce_max3A_5 = vector.multi_reduction <maximumf>, %get3A_1, %reduce_max3A [1] : vector<1024x1000xf32> to vector<1024xf32>
    %broadcast_in_dim3A = vector.shape_cast %reduce_max3A_5 : vector<1024xf32> to vector<1024x1xf32>
    %sub3A = vector.broadcast %broadcast_in_dim3A : vector<1024x1xf32> to vector<1024x1000xf32>
    %sub3A_6 = arith.subf %get3A_1, %sub3A : vector<1024x1000xf32>
    %exp3A = math.exp %sub3A_6 : vector<1024x1000xf32>
    %reduce_sum3A = arith.constant dense<0.000000e+00> : vector<1024xf32>
    %reduce_sum3A_7 = vector.multi_reduction <add>, %exp3A, %reduce_sum3A [1] : vector<1024x1000xf32> to vector<1024xf32>
    %broadcast_in_dim3A_8 = vector.shape_cast %reduce_sum3A_7 : vector<1024xf32> to vector<1024x1xf32>
    %iota3A = tpu.iota {dimensions = array<i32: 1>} : vector<1024x1000xi32>
    %eq3A = vector.broadcast %get3A_4 : vector<1024x1xi32> to vector<1024x1000xi32>
    %eq3A_9 = arith.cmpi eq, %iota3A, %eq3A : vector<1024x1000xi32>
    %jit3A = arith.constant 0xFF800000 : f32
    %broadcast_in_dim3A_10 = vector.broadcast %jit3A : f32 to vector<1024x1000xf32>
    %select_n3A = arith.select %eq3A_9, %get3A_1, %broadcast_in_dim3A_10 : vector<1024x1000xi1>, vector<1024x1000xf32>
    %reduce_max3A_11 = arith.constant dense<0xFF800000> : vector<1024xf32>
    %reduce_max3A_12 = vector.multi_reduction <maximumf>, %select_n3A, %reduce_max3A_11 [1] : vector<1024x1000xf32> to vector<1024xf32>
    %broadcast_in_dim3A_13 = vector.shape_cast %reduce_max3A_12 : vector<1024xf32> to vector<1024x1xf32>
    %sub3A_14 = arith.subf %broadcast_in_dim3A_13, %broadcast_in_dim3A : vector<1024x1xf32>
    %log3A = math.log %broadcast_in_dim3A_8 : vector<1024x1xf32>
    %sub3A_15 = arith.subf %sub3A_14, %log3A : vector<1024x1xf32>
    %neg3A = arith.constant 0.000000e+00 : f32
    %neg3A_16 = vector.broadcast %neg3A : f32 to vector<1024x1xf32>
    %neg3A_17 = arith.subf %neg3A_16, %sub3A_15 : vector<1024x1xf32>
    %exp3A_18 = math.exp %sub3A_15 : vector<1024x1xf32>
    %sub3A_19 = arith.constant 1.000000e+00 : f32
    %sub3A_20 = vector.broadcast %sub3A_19 : f32 to vector<1024x1xf32>
    %sub3A_21 = arith.subf %sub3A_20, %exp3A_18 : vector<1024x1xf32>
    %integer_pow3A = arith.mulf %sub3A_21, %sub3A_21 : vector<1024x1xf32>
    %mul3A = arith.mulf %integer_pow3A, %neg3A_17 : vector<1024x1xf32>
    %reshape3A = vector.shape_cast %mul3A : vector<1024x1xf32> to vector<1x8x128xf32>
    %swap3A = arith.constant 0 : index
    %swap3A_22 = arith.constant 0 : index
    %swap3A_23 = arith.constant 0 : index
    %swap3A_24 = vector.load %arg5[%swap3A, %swap3A_22, %swap3A_23] : memref<1x8x128xf32, #tpu.memory_space<vmem>>, vector<1x8x128xf32>
    tpu.vector_store %arg5[%swap3A, %swap3A_22, %swap3A_23], %reshape3A {strides = array<i32>} : memref<1x8x128xf32, #tpu.memory_space<vmem>>, vector<1x8x128xf32>,
    %get3A_25 = arith.constant 0 : index
    %get3A_26 = arith.constant 0 : index
    %get3A_27 = vector.load %arg2[%get3A_25, %get3A_26] : memref<1024x1000xf32, #tpu.memory_space<vmem>>, vector<1024x1000xf32>
    %get3A_28 = arith.constant 0 : index
    %get3A_29 = arith.constant 0 : index
    %get3A_30 = vector.load %arg4[%get3A_28, %get3A_29] : memref<1024x1xi32, #tpu.memory_space<vmem>>, vector<1024x1xi32>
    %reduce_max3A_31 = arith.constant dense<0xFF800000> : vector<1024xf32>
    %reduce_max3A_32 = vector.multi_reduction <maximumf>, %get3A_27, %reduce_max3A_31 [1] : vector<1024x1000xf32> to vector<1024xf32>
    %broadcast_in_dim3A_33 = vector.shape_cast %reduce_max3A_32 : vector<1024xf32> to vector<1024x1xf32>
    %sub3A_34 = vector.broadcast %broadcast_in_dim3A_33 : vector<1024x1xf32> to vector<1024x1000xf32>
    %sub3A_35 = arith.subf %get3A_27, %sub3A_34 : vector<1024x1000xf32>
    %exp3A_36 = math.exp %sub3A_35 : vector<1024x1000xf32>
    %reduce_sum3A_37 = arith.constant dense<0.000000e+00> : vector<1024xf32>
    %reduce_sum3A_38 = vector.multi_reduction <add>, %exp3A_36, %reduce_sum3A_37 [1] : vector<1024x1000xf32> to vector<1024xf32>
    %broadcast_in_dim3A_39 = vector.shape_cast %reduce_sum3A_38 : vector<1024xf32> to vector<1024x1xf32>
    %iota3A_40 = tpu.iota {dimensions = array<i32: 1>} : vector<1024x1000xi32>
    %eq3A_41 = vector.broadcast %get3A_30 : vector<1024x1xi32> to vector<1024x1000xi32>
    %eq3A_42 = arith.cmpi eq, %iota3A_40, %eq3A_41 : vector<1024x1000xi32>
    %jit3A_43 = arith.constant 0xFF800000 : f32
    %broadcast_in_dim3A_44 = vector.broadcast %jit3A_43 : f32 to vector<1024x1000xf32>
    %select_n3A_45 = arith.select %eq3A_42, %get3A_27, %broadcast_in_dim3A_44 : vector<1024x1000xi1>, vector<1024x1000xf32>
    %reduce_max3A_46 = arith.constant dense<0xFF800000> : vector<1024xf32>
    %reduce_max3A_47 = vector.multi_reduction <maximumf>, %select_n3A_45, %reduce_max3A_46 [1] : vector<1024x1000xf32> to vector<1024xf32>
    %broadcast_in_dim3A_48 = vector.shape_cast %reduce_max3A_47 : vector<1024xf32> to vector<1024x1xf32>
    %sub3A_49 = arith.subf %broadcast_in_dim3A_48, %broadcast_in_dim3A_33 : vector<1024x1xf32>
    %log3A_50 = math.log %broadcast_in_dim3A_39 : vector<1024x1xf32>
    %sub3A_51 = arith.subf %sub3A_49, %log3A_50 : vector<1024x1xf32>
    %neg3A_52 = arith.constant 0.000000e+00 : f32
    %neg3A_53 = vector.broadcast %neg3A_52 : f32 to vector<1024x1xf32>
    %neg3A_54 = arith.subf %neg3A_53, %sub3A_51 : vector<1024x1xf32>
    %exp3A_55 = math.exp %sub3A_51 : vector<1024x1xf32>
    %sub3A_56 = arith.constant 1.000000e+00 : f32
    %sub3A_57 = vector.broadcast %sub3A_56 : f32 to vector<1024x1xf32>
    %sub3A_58 = arith.subf %sub3A_57, %exp3A_55 : vector<1024x1xf32>
    %integer_pow3A_59 = arith.mulf %sub3A_58, %sub3A_58 : vector<1024x1xf32>
    %mul3A_60 = arith.mulf %integer_pow3A_59, %neg3A_54 : vector<1024x1xf32>
    %reshape3A_61 = vector.shape_cast %mul3A_60 : vector<1024x1xf32> to vector<1x8x128xf32>
    %swap3A_62 = arith.constant 0 : index
    %swap3A_63 = arith.constant 0 : index
    %swap3A_64 = arith.constant 0 : index
    %swap3A_65 = vector.load %arg6[%swap3A_62, %swap3A_63, %swap3A_64] : memref<1x8x128xf32, #tpu.memory_space<vmem>>, vector<1x8x128xf32>
    tpu.vector_store %arg6[%swap3A_62, %swap3A_63, %swap3A_64], %reshape3A_61 {strides = array<i32>} : memref<1x8x128xf32, #tpu.memory_space<vmem>>, vector<1x8x128xf32>,
    return
  }
  func.func @transform_0(%arg0: i32) -> (i32, i32) {
    %add3A = arith.constant 0 : i32
    %add3A_0 = arith.addi %arg0, %add3A : i32
    %c0_i32 = arith.constant 0 : i32
    %c0_i32_1 = arith.constant 0 : i32
    return %add3A_0, %c0_i32 : i32, i32
  }
  func.func @transform_1(%arg0: i32) -> (i32, i32) {
    %add3A = arith.constant 8 : i32
    %add3A_0 = arith.addi %arg0, %add3A : i32
    %c0_i32 = arith.constant 0 : i32
    %c0_i32_1 = arith.constant 0 : i32
    return %add3A_0, %c0_i32 : i32, i32
  }
  func.func @transform_2(%arg0: i32) -> (i32, i32) {
    %add3A = arith.constant 0 : i32
    %add3A_0 = arith.addi %arg0, %add3A : i32
    %c0_i32 = arith.constant 0 : i32
    %c0_i32_1 = arith.constant 0 : i32
    return %add3A_0, %c0_i32 : i32, i32
  }
  func.func @transform_3(%arg0: i32) -> (i32, i32) {
    %add3A = arith.constant 8 : i32
    %add3A_0 = arith.addi %arg0, %add3A : i32
    %c0_i32 = arith.constant 0 : i32
    %c0_i32_1 = arith.constant 0 : i32
    return %add3A_0, %c0_i32 : i32, i32
  }
  func.func @transform_4(%arg0: i32) -> (i32, i32, i32) {
    %c0_i32 = arith.constant 0 : i32
    %c0_i32_0 = arith.constant 0 : i32
    %c0_i32_1 = arith.constant 0 : i32
    return %arg0, %c0_i32, %c0_i32_0 : i32, i32, i32
  }
  func.func @transform_5(%arg0: i32) -> (i32, i32, i32) {
    %c0_i32 = arith.constant 0 : i32
    %c0_i32_0 = arith.constant 0 : i32
    %c0_i32_1 = arith.constant 0 : i32
    return %arg0, %c0_i32, %c0_i32_0 : i32, i32, i32
  }
}

</mosaic_0001>

<sc_bundles>
// kernel: kernel.4.cloned.1.call-start
scs
__scs_entry_jumppad:
0x0: {  	(pc) =	sbr.rel $0x88, $3  }
0x1: {  	(tag) =	ssettag $0x0;
	lr =	simm.s32 $0x1  }
0x2: {  	[smem:$0x3F9F] =	sst lr;
	_ =	strace $0xD0000000  }
0x3: {  	_ = 	snop  }
0x4: {  	_ = 	snop  }
0x5: {  	_ = 	snop  }
0x6: {  	_ = 	snop  }
0x7: {  	_ = 	snop  }
__scs_overlays_trampoline_lowered:
0x8: {  	[smem:$0x3FAE] =	sst s0  }
0x9: {  	[smem:$0x3FAF] =	sst s1  }
0xa: {  	[smem:$0x3FB0] =	sst s2  }
0xb: {  	[smem:$0x3FB1] =	sst s3  }
0xc: {  	[smem:$0x3FB2] =	sst s4  }
0xd: {  	[smem:$0x3FB3] =	sst s5  }
0xe: {  	[smem:$0x3FB4] =	sst s6  }
0xf: {  	[smem:$0x3FB5] =	sst s7  }
0x10: {  	[smem:$0x3FB6] =	sst s8  }
0x11: {  	[smem:$0x3FB7] =	sst s9;
	s0 =	simm.s32 @!p0 $0x0  }
0x12: {  	s1 =	sld [smem:$0x3F9D];
	s0 =	simm.s32 @p0 $0x1  }
0x13: {  	[smem:$0x3FB8] =	sst s0;
	s0 =	simm.s32 @!p1 $0x0  }
0x14: {  	s2 =	sld [smem:$0x3F9C];
	s0 =	simm.s32 @p1 $0x1  }
0x15: {  	[smem:$0x3FB9] =	sst s0;
	s0 =	simm.s32 @!p2 $0x0  }
0x16: {  	s3 =	sld [smem:$0x3FDB];
	s0 =	simm.s32 @p2 $0x1  }
0x17: {  	s4 =	simm.s32 $0x1BF5;
	[smem:$0x3FBB] =	sst s0  }
0x18: {  	s0 =	sld [smem:$0x3F9E];
	_ =	swait.ge [sflag:s4], $0x0  }
0x19: {  	s7 =	sld [smem:$0x3F9F]  }
0x1a: {  	s8 =	sadd.s32 $0xFFFFE003, lr  }
0x1b: {  	s9 =	sadd.s32 $0xFFFFFEF7, lr;
	s5 =	simm.s32 $0xFFFFFFFF;
	p2 =	slt.u32 s8, $0xFFFFF086  }
0x1c: {  	p1 =	slt.u32 s9, $0xF7A;
	s5 =	simm.s32 @!p2 $0x0  }
0x1d: {  	s5 =	simm.s32 @p1 $0x1;
	p0 =	seq.s32 s7, s2  }
0x1e: {  	s7 =	smul.u32 @!p0 $0xF7A, s2;
	p2 =	seq.s32 @!p0 s5, $0x0  }
0x1f: {  	s9 =	smul.u32 $0xF7A, s1;
	s8 =	simm.s32 @!p0 $0x1BF5;
	p2 =	por !p2, p0  }
0x20: {  	[sflag:s8] =	ssyncset.s32 @!p0 $0xFFFFF086;
	s6 =	sadd.s32 @!p0 s3, s7;
	s7 =	simm.s32 @!p0 $0x108  }
0x21: {  	s3 =	sadd.s32 s3, s9;
	s6 =	sadd.s32 @!p0 $0x88, s6;
	s7 =	simm.s32 @p2 $0x1082  }
0x22: {  	[simem:s7], [sflag:s8] =	dma.local @!p0 [hbm:s6], $0xF7A  }
0x23: {  	s9 =	sor.u32 $0xD0000000, s2;
	s6 =	simm.s32 $0x108;
	_ =	swait.ge @!p0 [sflag:s8], $0x0  }
0x24: {  	s3 =	sadd.s32 $0x88, s3;
	s6 =	simm.s32 @!p1 $0x1082;
	[sflag:s4] =	ssyncset.s32 $0xFFFFF086  }
0x25: {  	[simem:s6], [sflag:s4] =	dma.local [hbm:s3], $0xF7A  }
0x26: {  	[smem:$0x3F9F] =	sst s1;
	(tag) =	ssettag s2;
	_ =	strace s9  }
0x27: {  	s1 =	sld [smem:$0x3FAF]  }
0x28: {  	s2 =	sld [smem:$0x3FB0]  }
0x29: {  	s4 =	sld [smem:$0x3FB2]  }
0x2a: {  	p0 =	seq.s32 s5, $0x0;
	s5 =	sld [smem:$0x3FB3]  }
0x2b: {  	s6 =	sld [smem:$0x3FB4]  }
0x2c: {  	s7 =	sld [smem:$0x3FB5]  }
0x2d: {  	s3 =	simm.s32 $0x108;
	s8 =	sld [smem:$0x3FB6]  }
0x2e: {  	s3 =	simm.s32 @!p0 $0x1082;
	s9 =	sld [smem:$0x3FB7]  }
0x2f: {  	lr =	sadd.s32 s0, s3;
	s0 =	sld [smem:$0x3FAE]  }
0x30: {  	s3 =	sld [smem:$0x3FB1]  }
0x31: {  	[smem:$0x3FBA] =	sst s10  }
0x32: {  	s10 =	sld [smem:$0x3FB8];
	_ =	sdelay $0x3  }
0x33: {  	p0 =	seq.s32 s10, $0x1;
	s10 =	sld [smem:$0x3FBA];
	_ =	sdelay $0x3  }
0x34: {  	[smem:$0x3FBA] =	sst s10  }
0x35: {  	s10 =	sld [smem:$0x3FB9];
	_ =	sdelay $0x3  }
0x36: {  	p1 =	seq.s32 s10, $0x1;
	s10 =	sld [smem:$0x3FBA];
	_ =	sdelay $0x3  }
0x37: {  	[smem:$0x3FBA] =	sst s10  }
0x38: {  	s10 =	sld [smem:$0x3FBB]  }
0x39: {  	_ = 	snop;
	(pc) =	sbr.ind lr, $3  }
0x3a: {  	_ = 	snop  }
0x3b: {  	_ = 	snop  }
0x3c: {  	p2 =	seq.s32 s10, $0x1;
	s10 =	sld [smem:$0x3FBA]  }
0x3d: {  	_ =	shalt  }
0x3e: {  	_ =	shalt  }
0x3f: {  	_ =	shalt  }
0x40: {  	_ =	shalt  }
0x41: {  	_ =	shalt  }
0x42: {  	_ =	shalt  }
0x43: {  	_ =	shalt  }
0x44: {  	_ =	shalt  }
0x45: {  	_ =	shalt  }
0x46: {  	_ =	shalt  }
0x47: {  	_ =	shalt  }
0x48: {  	_ =	shalt  }
0x49: {  	_ =	shalt  }
0x4a: {  	_ =	shalt  }
0x4b: {  	_ =	shalt  }
0x4c: {  	_ =	shalt  }
0x4d: {  	_ =	shalt  }
0x4e: {  	_ =	shalt  }
0x4f: {  	_ =	shalt  }
0x50: {  	_ =	shalt  }
0x51: {  	_ =	shalt  }
0x52: {  	_ =	shalt  }
0x53: {  	_ =	shalt  }
0x54: {  	_ =	shalt  }
0x55: {  	_ =	shalt  }
0x56: {  	_ =	shalt  }
0x57: {  	_ =	shalt  }
0x58: {  	_ =	shalt  }
0x59: {  	_ =	shalt  }
0x5a: {  	_ =	shalt  }
0x5b: {  	_ =	shalt  }
0x5c: {  	_ =	shalt  }
0x5d: {  	_ =	shalt  }
0x5e: {  	_ =	shalt  }
0x5f: {  	_ =	shalt  }
0x60: {  	_ =	shalt  }
0x61: {  	_ =	shalt  }
0x62: {  	_ =	shalt  }
0x63: {  	_ =	shalt  }
0x64: {  	_ =	shalt  }
0x65: {  	_ =	shalt  }
0x66: {  	_ =	shalt  }
0x67: {  	_ =	shalt  }
0x68: {  	_ =	shalt  }
0x69: {  	_ =	shalt  }
0x6a: {  	_ =	shalt  }
0x6b: {  	_ =	shalt  }
0x6c: {  	_ =	shalt  }
0x6d: {  	_ =	shalt  }
0x6e: {  	_ =	shalt  }
0x6f: {  	_ =	shalt  }
0x70: {  	_ =	shalt  }
0x71: {  	_ =	shalt  }
0x72: {  	_ =	shalt  }
0x73: {  	_ =	shalt  }
0x74: {  	_ =	shalt  }
0x75: {  	_ =	shalt  }
0x76: {  	_ =	shalt  }
0x77: {  	_ =	shalt  }
0x78: {  	_ =	shalt  }
0x79: {  	_ =	shalt  }
0x7a: {  	_ =	shalt  }
0x7b: {  	_ =	shalt  }
0x7c: {  	_ =	shalt  }
0x7d: {  	_ =	shalt  }
0x7e: {  	_ =	shalt  }
0x7f: {  	_ =	shalt  }
0x80: {  	_ =	shalt  }
0x81: {  	_ =	shalt  }
0x82: {  	_ =	shalt  }
0x83: {  	_ =	shalt  }
0x84: {  	_ =	shalt  }
0x85: {  	_ =	shalt  }
0x86: {  	_ =	shalt  }
0x87: {  	_ =	shalt  }
.Lfunc_end0:
.L_simem_size_0:
called_computation_lowered:
.L_overlay_start_0:
0x88: {  	s0 =	sld [smem:$0x3FD9]  }
0x89: {  	s1 =	sld [smem:$0x3FFE];
	_ =	sdelay $0x3  }
0x8a: {  	s0 =	sadd.s32 s1, s0  }
0x8b: {  	[smem:$0x3FC6] =	sst s0  }
0x8c: {  	_ = 	snop  }
0x8d: {  	s0 =	sld [smem:$0x3FC8]  }
0x8e: {  	s16 =	sld [smem:$0x3FD0];
	(tm) =	ssettm $0x1  }
0x8f: {  	s2 =	sld [smem:$0x3FFB];
	_ =	sdelay $0x3  }
0x90: {  	_ =	strace s2  }
0x91: {  	s2 =	sld [smem:$0x3FFC];
	_ =	sdelay $0x3  }
0x92: {  	_ =	strace s2  }
0x93: {  	s2 =	sld [smem:$0x3FFD];
	_ =	sdelay $0x3  }
0x94: {  	_ =	strace s2  }
0x95: {  	_ =	strace $0x8FFFFFFF  }
0x96: {  	s17 =	sld [smem:$0x3FDB];
	_ =	sdelay $0x1  }
0x97: {  	s3 =	simm.s32 $_scs_section_size  }
0x98: {  	s4 =	simm.s32 $_size__tile_overlayer_lowered;
	s5 =	simm.s32 $_tile_overlayer_lowered  }
0x99: {  	s20 =	simm.s32 $0x1BFF;
	s19 =	sshll.u32 s5, $0x1;
	s2 =	sadd.s32 s3, s17  }
0x9a: {  	s6 =	simm.s32 $0x0;
	s18 =	sshll.u32 s4, $0x1;
	s4 =	sadd.s32 s19, s2  }
0x9b: {  	[timem:s6], [sflag:s20] =	dma.local [hbm:s4], s18  }
0x9c: {  	_ =	swait.ge [sflag:s20], s18  }
0x9d: {  	s3 =	ssub.s32 $0x0, s18;
	[sflag:s20] =	ssyncset.done $0x0  }
0x9e: {  	[sflag:s20] =	ssyncadd.s32 s3;
	_ =	sdelay $0x1  }
0x9f: {  	s21 =	simm.s32 $0x1B8B  }
0xa0: {  	_ =	swait.ge [sflag:s21], $0x1  }
0xa1: {  	[sflag:s21] =	ssyncset.done $0x0  }
0xa2: {  	s23 =	simm.s32 $0x1B8E;
	s22 =	sld [smem:$0x3FFE];
	[sflag:s21] =	ssyncadd.s32 $0xFFFFFFFF  }
0xa3: {  	s24 =	simm.s32 $execute0_lowered;
	[smem:$0x3FD2] =	sst s23  }
0xa4: {  	s4 =	sshll.u32 s24, $0x1;
	_ =	strace $0x80000046;
	[dreg:$0x1] =	wrdreg $0xFFFFFFFF  }
0xa5: {  	s25 =	simm.s32 $_size_execute0_lowered;
	s2 =	sadd.s32 s2, s4;
	[dreg:$0x0] =	wrdreg $0x0  }
0xa6: {  	s4 =	sshll.u32 s25, $0x1;
	[dreg:$0x2] =	wrdreg s2  }
0xa7: {  	[dreg:$0x3] =	wrdreg s4  }
0xa8: {  	[dreg:$0x4] =	wrdreg $0xC0  }
0xa9: {  	_ =	task [dreg:s6], $0x5FFFF  }
0xaa: {  	[dreg:$0x1] =	wrdreg $0xFFFFFFFF  }
0xab: {  	[dreg:$0x0] =	wrdreg $0x60  }
0xac: {  	[dreg:$0x2] =	wrdreg s0  }
0xad: {  	[dreg:$0x3] =	wrdreg s22  }
0xae: {  	[dreg:$0x4] =	wrdreg s16  }
0xaf: {  	[dreg:$0x5] =	wrdreg $0x18800  }
0xb0: {  	[dreg:$0x6] =	wrdreg $0x18C00  }
0xb1: {  	[dreg:$0x7] =	wrdreg $0x9  }
0xb2: {  	_ =	task.clear_ibuf [dreg:s6], $0x8FFFF;
	_ =	strace $0x90000046  }
0xb3: {  	s26 =	simm.s32 $0x9;
	_ =	strace $0x80000048  }
0xb4: {  	_ =	swait.ge [sflag:s26], $0x1  }
0xb5: {  	[sflag:s26] =	ssyncadd.s32 $0xFFFFFFFF  }
0xb6: {  	_ =	strace $0x90000048  }
0xb7: {  	_ =	sfence  }
0xb8: {  	s28 =	sld [smem:$0x0];
	_ =	sdelay $0x1  }
0xb9: {  	s29 =	srdreg.scid  }
0xba: {  	s30 =	sshll.u32 s29, $0xD;
	s31 =	sshrl.u32 s29, $0x2  }
0xbb: {  	s1 =	sand.u32 $0x1, s29;
	s2 =	sand.u32 $0x4000, s30;
	s0 =	sadd.s32 s31, s28  }
0xbc: {  	s1 =	sor.u32 s2, s1;
	s0 =	sshll.u32 s0, $0x11  }
0xbd: {  	s0 =	sor.u32 s0, s1  }
0xbe: {  	s0 =	sadd.s32 $0x8F2B, s0  }
0xbf: {  	[sflag:s0] =	ssyncadd.remote.s32 $0x1  }
0xc0: {  	_ =	sfence.sel $0xFFFF  }
0xc1: {  	[dreg:$0x0] =	wrdreg $0xFFFFFFFF;
	(pc) =	sbr.abs _section_cstart, $3  }
0xc2: {  	[dreg:$0x1] =	wrdreg $0xFFFFFFFF  }
0xc3: {  	_ =	task.clear_ibuf [dreg:s6], $0x2FFFF;
	_ =	strace $0x9FFFFFFF  }
0xc4: {  	(tm) =	ssettm $0x7FFFFFFF  }
0xc5: {  	_ =	shalt  }
tec
execute0_lowered:
.L_overlay_start_1:
0x0: {  	(tag) =	ssettag $0x1  }
0x1: {  	s4 =	rddreg [dreg:$0x0]  }
0x2: {  	s6 =	rddreg [dreg:$0x1]  }
0x3: {  	s1 =	rddreg [dreg:$0x2]  }
0x4: {  	s5 =	rddreg [dreg:$0x3]  }
0x5: {  	s3 =	rddreg [dreg:$0x4];
	s2 =	simm.s32 $0x0;
	s7 =	stileid.u32  }
0x6: {  	[smem:$0x7FF] =	sst s2;
	s8 =	sshll.u32 s7, $0x7  }
0x7: {  	s0 =	rddreg [dreg:$0x5];
	_ =	strace $0x80000047;
	s4 =	sadd.s32 s4, s8  }
0x8: {  	[tilespmem:s2], [sflag:$0x1] =	stream.linear.gather [hbm4b:s4+s2], $0x400, $0x38;
	[tilespmem:$0x1900] =	vst v63  }
0x9: {  	s4 =	simm.s32 $0x1  }
0xa: {  	_ =	swait.ge [sflag:s4], $0x400  }
0xb: {  	s6 =	sadd.s32 s8, s6;
	[sflag:s4] =	ssyncset.done $0x0  }
0xc: {  	s31 =	simm.s32 $0x400;
	s8 =	sadd.s32 $0x600, s6;
	[sflag:s4] =	ssyncadd.s32 $0xFFFFFC00  }
0xd: {  	[tilespmem:s31], [sflag:$0x1] =	stream.linear.gather [hbm4b:s8+s2], $0x400, $0x38;
	[tilespmem:$0x1900] =	vst v63  }
0xe: {  	_ =	swait.ge [sflag:s4], $0x400  }
0xf: {  	[sflag:s4] =	ssyncset.done $0x0  }
0x10: {  	v0 =	vimm.f32 $1.000000000e+00;
	[sflag:s4] =	ssyncadd.s32 $0xFFFFFC00  }
0x11: {  	[tilespmem:$0x800] =	vst v0  }
0x12: {  	[tilespmem:$0x810] =	vst v0  }
0x13: {  	[tilespmem:$0x820] =	vst v0  }
0x14: {  	[tilespmem:$0x830] =	vst v0  }
0x15: {  	[tilespmem:$0x840] =	vst v0  }
0x16: {  	[tilespmem:$0x850] =	vst v0  }
0x17: {  	[tilespmem:$0x860] =	vst v0  }
0x18: {  	[tilespmem:$0x870] =	vst v0  }
0x19: {  	[tilespmem:$0x880] =	vst v0  }
0x1a: {  	[tilespmem:$0x890] =	vst v0  }
0x1b: {  	[tilespmem:$0x8A0] =	vst v0  }
0x1c: {  	[tilespmem:$0x8B0] =	vst v0  }
0x1d: {  	[tilespmem:$0x8C0] =	vst v0  }
0x1e: {  	[tilespmem:$0x8D0] =	vst v0  }
0x1f: {  	[tilespmem:$0x8E0] =	vst v0  }
0x20: {  	[tilespmem:$0x8F0] =	vst v0  }
0x21: {  	[tilespmem:$0x900] =	vst v0  }
0x22: {  	[tilespmem:$0x910] =	vst v0  }
0x23: {  	[tilespmem:$0x920] =	vst v0  }
0x24: {  	[tilespmem:$0x930] =	vst v0  }
0x25: {  	[tilespmem:$0x940] =	vst v0  }
0x26: {  	[tilespmem:$0x950] =	vst v0  }
0x27: {  	[tilespmem:$0x960] =	vst v0  }
0x28: {  	[tilespmem:$0x970] =	vst v0  }
0x29: {  	[tilespmem:$0x980] =	vst v0  }
0x2a: {  	[tilespmem:$0x990] =	vst v0  }
0x2b: {  	[tilespmem:$0x9A0] =	vst v0  }
0x2c: {  	[tilespmem:$0x9B0] =	vst v0  }
0x2d: {  	[tilespmem:$0x9C0] =	vst v0  }
0x2e: {  	[tilespmem:$0x9D0] =	vst v0  }
0x2f: {  	[tilespmem:$0x9E0] =	vst v0  }
0x30: {  	[tilespmem:$0x9F0] =	vst v0  }
0x31: {  	[tilespmem:$0xA00] =	vst v0  }
0x32: {  	[tilespmem:$0xA10] =	vst v0  }
0x33: {  	[tilespmem:$0xA20] =	vst v0  }
0x34: {  	[tilespmem:$0xA30] =	vst v0  }
0x35: {  	[tilespmem:$0xA40] =	vst v0  }
0x36: {  	[tilespmem:$0xA50] =	vst v0  }
0x37: {  	[tilespmem:$0xA60] =	vst v0  }
0x38: {  	[tilespmem:$0xA70] =	vst v0  }
0x39: {  	[tilespmem:$0xA80] =	vst v0  }
0x3a: {  	[tilespmem:$0xA90] =	vst v0  }
0x3b: {  	[tilespmem:$0xAA0] =	vst v0  }
0x3c: {  	[tilespmem:$0xAB0] =	vst v0  }
0x3d: {  	[tilespmem:$0xAC0] =	vst v0  }
0x3e: {  	[tilespmem:$0xAD0] =	vst v0  }
0x3f: {  	[tilespmem:$0xAE0] =	vst v0  }
0x40: {  	[tilespmem:$0xAF0] =	vst v0  }
0x41: {  	[tilespmem:$0xB00] =	vst v0  }
0x42: {  	[tilespmem:$0xB10] =	vst v0  }
0x43: {  	[tilespmem:$0xB20] =	vst v0  }
0x44: {  	[tilespmem:$0xB30] =	vst v0  }
0x45: {  	[tilespmem:$0xB40] =	vst v0  }
0x46: {  	[tilespmem:$0xB50] =	vst v0  }
0x47: {  	[tilespmem:$0xB60] =	vst v0  }
0x48: {  	[tilespmem:$0xB70] =	vst v0  }
0x49: {  	[tilespmem:$0xB80] =	vst v0  }
0x4a: {  	[tilespmem:$0xB90] =	vst v0  }
0x4b: {  	[tilespmem:$0xBA0] =	vst v0  }
0x4c: {  	[tilespmem:$0xBB0] =	vst v0  }
0x4d: {  	[tilespmem:$0xBC0] =	vst v0  }
0x4e: {  	[tilespmem:$0xBD0] =	vst v0  }
0x4f: {  	[tilespmem:$0xBE0] =	vst v0  }
0x50: {  	[tilespmem:$0xBF0] =	vst v0;
	v0 =	vimm.f32 $0.0e+00  }
0x51: {  	[tilespmem:$0xC00] =	vst v0  }
0x52: {  	[tilespmem:$0xC10] =	vst v0  }
0x53: {  	[tilespmem:$0xC20] =	vst v0  }
0x54: {  	[tilespmem:$0xC30] =	vst v0  }
0x55: {  	[tilespmem:$0xC40] =	vst v0  }
0x56: {  	[tilespmem:$0xC50] =	vst v0  }
0x57: {  	[tilespmem:$0xC60] =	vst v0  }
0x58: {  	[tilespmem:$0xC70] =	vst v0  }
0x59: {  	[tilespmem:$0xC80] =	vst v0  }
0x5a: {  	[tilespmem:$0xC90] =	vst v0  }
0x5b: {  	[tilespmem:$0xCA0] =	vst v0  }
0x5c: {  	[tilespmem:$0xCB0] =	vst v0  }
0x5d: {  	[tilespmem:$0xCC0] =	vst v0  }
0x5e: {  	[tilespmem:$0xCD0] =	vst v0  }
0x5f: {  	[tilespmem:$0xCE0] =	vst v0  }
0x60: {  	[tilespmem:$0xCF0] =	vst v0  }
0x61: {  	[tilespmem:$0xD00] =	vst v0  }
0x62: {  	[tilespmem:$0xD10] =	vst v0  }
0x63: {  	[tilespmem:$0xD20] =	vst v0  }
0x64: {  	[tilespmem:$0xD30] =	vst v0  }
0x65: {  	[tilespmem:$0xD40] =	vst v0  }
0x66: {  	[tilespmem:$0xD50] =	vst v0  }
0x67: {  	[tilespmem:$0xD60] =	vst v0  }
0x68: {  	[tilespmem:$0xD70] =	vst v0  }
0x69: {  	[tilespmem:$0xD80] =	vst v0  }
0x6a: {  	[tilespmem:$0xD90] =	vst v0  }
0x6b: {  	[tilespmem:$0xDA0] =	vst v0  }
0x6c: {  	[tilespmem:$0xDB0] =	vst v0  }
0x6d: {  	[tilespmem:$0xDC0] =	vst v0  }
0x6e: {  	[tilespmem:$0xDD0] =	vst v0  }
0x6f: {  	[tilespmem:$0xDE0] =	vst v0  }
0x70: {  	[tilespmem:$0xDF0] =	vst v0  }
0x71: {  	[tilespmem:$0xE00] =	vst v0  }
0x72: {  	[tilespmem:$0xE10] =	vst v0  }
0x73: {  	[tilespmem:$0xE20] =	vst v0  }
0x74: {  	[tilespmem:$0xE30] =	vst v0  }
0x75: {  	[tilespmem:$0xE40] =	vst v0  }
0x76: {  	[tilespmem:$0xE50] =	vst v0  }
0x77: {  	[tilespmem:$0xE60] =	vst v0  }
0x78: {  	[tilespmem:$0xE70] =	vst v0  }
0x79: {  	[tilespmem:$0xE80] =	vst v0  }
0x7a: {  	[tilespmem:$0xE90] =	vst v0  }
0x7b: {  	[tilespmem:$0xEA0] =	vst v0  }
0x7c: {  	[tilespmem:$0xEB0] =	vst v0  }
0x7d: {  	[tilespmem:$0xEC0] =	vst v0  }
0x7e: {  	[tilespmem:$0xED0] =	vst v0  }
0x7f: {  	[tilespmem:$0xEE0] =	vst v0  }
0x80: {  	[tilespmem:$0xEF0] =	vst v0  }
0x81: {  	[tilespmem:$0xF00] =	vst v0  }
0x82: {  	[tilespmem:$0xF10] =	vst v0  }
0x83: {  	[tilespmem:$0xF20] =	vst v0  }
0x84: {  	[tilespmem:$0xF30] =	vst v0  }
0x85: {  	[tilespmem:$0xF40] =	vst v0  }
0x86: {  	[tilespmem:$0xF50] =	vst v0  }
0x87: {  	[tilespmem:$0xF60] =	vst v0  }
0x88: {  	[tilespmem:$0xF70] =	vst v0  }
0x89: {  	[tilespmem:$0xF80] =	vst v0  }
0x8a: {  	[tilespmem:$0xF90] =	vst v0  }
0x8b: {  	[tilespmem:$0xFA0] =	vst v0  }
0x8c: {  	[tilespmem:$0xFB0] =	vst v0  }
0x8d: {  	[tilespmem:$0xFC0] =	vst v0  }
0x8e: {  	p0 =	sne.s32 s7, $0x0;
	[tilespmem:$0xFD0] =	vst v0  }
0x8f: {  	s7 =	simm.s32 @!p0 $0xC00;
	s8 =	simm.s32 @!p0 $0x1;
	[tilespmem:$0xFE0] =	vst v0  }
0x90: {  	[spmem:s5] =	stream.linear.scatter @!p0 [tilespmem:s7], [sflag:$0x1], $0x400, $0x38;
	[tilespmem:$0x1900] =	vst v63  }
0x91: {  	_ =	swait.ge @!p0 [sflag:s8], $0x400  }
0x92: {  	[sflag:s8] =	ssyncset.done @!p0 $0x0  }
0x93: {  	[sflag:s8] =	ssyncadd.s32 @!p0 $0xFFFFFC00  }
0x94: {  	[spmem:s3] =	stream.linear.scatter @!p0 [tilespmem:s7], [sflag:$0x1], $0x400, $0x38;
	[tilespmem:$0x1900] =	vst v63  }
0x95: {  	_ =	swait.ge @!p0 [sflag:s8], $0x400  }
0x96: {  	[sflag:s8] =	ssyncset.done @!p0 $0x0  }
0x97: {  	[sflag:s8] =	ssyncadd.s32 @!p0 $0xFFFFFC00  }
0x98: {  	s9 =	simm.s32 $0x80;
	s10 =	simm.s32 $0x800;
	[bflag:$0x0] =	sbarrier.arrive $0xFFFF  }
0x99: {  	[spmem:s5] =	stream.indirect.scatter.add.f32 [tilespmem:s10], [sflag:$0x1], $0x1, s2, s9, $0xb8;
	[tilespmem:$0x1900] =	vst v63  }
0x9a: {  	_ =	swait.ge [sflag:s4], $0x80  }
0x9b: {  	[sflag:s4] =	ssyncset.done $0x0  }
0x9c: {  	[sflag:s4] =	ssyncadd.s32 $0xFFFFFF80  }
0x9d: {  	[spmem:s3] =	stream.indirect.scatter.add.f32 [tilespmem:s31], [sflag:$0x1], $0x1, s2, s9, $0xb8;
	[tilespmem:$0x1900] =	vst v63  }
0x9e: {  	_ =	swait.ge [sflag:s4], $0x80  }
0x9f: {  	[sflag:s4] =	ssyncset.done $0x0  }
0xa0: {  	s11 =	simm.s32 $0x880;
	[sflag:s4] =	ssyncadd.s32 $0xFFFFFF80  }
0xa1: {  	[spmem:s5] =	stream.indirect.scatter.add.f32 [tilespmem:s11], [sflag:$0x1], $0x1, s9, s9, $0xb8;
	[tilespmem:$0x1900] =	vst v63  }
0xa2: {  	_ =	swait.ge [sflag:s4], $0x80  }
0xa3: {  	[sflag:s4] =	ssyncset.done $0x0  }
0xa4: {  	s12 =	simm.s32 $0x480;
	[sflag:s4] =	ssyncadd.s32 $0xFFFFFF80  }
0xa5: {  	[spmem:s3] =	stream.indirect.scatter.add.f32 [tilespmem:s12], [sflag:$0x1], $0x1, s9, s9, $0xb8;
	[tilespmem:$0x1900] =	vst v63  }
0xa6: {  	_ =	swait.ge [sflag:s4], $0x80  }
0xa7: {  	[sflag:s4] =	ssyncset.done $0x0  }
0xa8: {  	s13 =	simm.s32 $0x100;
	s14 =	simm.s32 $0x900;
	[sflag:s4] =	ssyncadd.s32 $0xFFFFFF80  }
0xa9: {  	[spmem:s5] =	stream.indirect.scatter.add.f32 [tilespmem:s14], [sflag:$0x1], $0x1, s13, s9, $0xb8;
	[tilespmem:$0x1900] =	vst v63  }
0xaa: {  	_ =	swait.ge [sflag:s4], $0x80  }
0xab: {  	[sflag:s4] =	ssyncset.done $0x0  }
0xac: {  	s15 =	simm.s32 $0x500;
	[sflag:s4] =	ssyncadd.s32 $0xFFFFFF80  }
0xad: {  	[spmem:s3] =	stream.indirect.scatter.add.f32 [tilespmem:s15], [sflag:$0x1], $0x1, s13, s9, $0xb8;
	[tilespmem:$0x1900] =	vst v63  }
0xae: {  	_ =	swait.ge [sflag:s4], $0x80  }
0xaf: {  	[sflag:s4] =	ssyncset.done $0x0  }
0xb0: {  	s16 =	simm.s32 $0x180;
	s17 =	simm.s32 $0x980;
	[sflag:s4] =	ssyncadd.s32 $0xFFFFFF80  }
0xb1: {  	[spmem:s5] =	stream.indirect.scatter.add.f32 [tilespmem:s17], [sflag:$0x1], $0x1, s16, s9, $0xb8;
	[tilespmem:$0x1900] =	vst v63  }
0xb2: {  	_ =	swait.ge [sflag:s4], $0x80  }
0xb3: {  	[sflag:s4] =	ssyncset.done $0x0  }
0xb4: {  	s18 =	simm.s32 $0x580;
	[sflag:s4] =	ssyncadd.s32 $0xFFFFFF80  }
0xb5: {  	[spmem:s3] =	stream.indirect.scatter.add.f32 [tilespmem:s18], [sflag:$0x1], $0x1, s16, s9, $0xb8;
	[tilespmem:$0x1900] =	vst v63  }
0xb6: {  	_ =	swait.ge [sflag:s4], $0x80  }
0xb7: {  	[sflag:s4] =	ssyncset.done $0x0  }
0xb8: {  	s19 =	simm.s32 $0x200;
	s20 =	simm.s32 $0xA00;
	[sflag:s4] =	ssyncadd.s32 $0xFFFFFF80  }
0xb9: {  	[spmem:s5] =	stream.indirect.scatter.add.f32 [tilespmem:s20], [sflag:$0x1], $0x1, s19, s9, $0xb8;
	[tilespmem:$0x1900] =	vst v63  }
0xba: {  	_ =	swait.ge [sflag:s4], $0x80  }
0xbb: {  	[sflag:s4] =	ssyncset.done $0x0  }
0xbc: {  	s21 =	simm.s32 $0x600;
	[sflag:s4] =	ssyncadd.s32 $0xFFFFFF80  }
0xbd: {  	[spmem:s3] =	stream.indirect.scatter.add.f32 [tilespmem:s21], [sflag:$0x1], $0x1, s19, s9, $0xb8;
	[tilespmem:$0x1900] =	vst v63  }
0xbe: {  	_ =	swait.ge [sflag:s4], $0x80  }
0xbf: {  	[sflag:s4] =	ssyncset.done $0x0  }
0xc0: {  	s22 =	simm.s32 $0x280;
	s23 =	simm.s32 $0xA80;
	[sflag:s4] =	ssyncadd.s32 $0xFFFFFF80  }
0xc1: {  	[spmem:s5] =	stream.indirect.scatter.add.f32 [tilespmem:s23], [sflag:$0x1], $0x1, s22, s9, $0xb8;
	[tilespmem:$0x1900] =	vst v63  }
0xc2: {  	_ =	swait.ge [sflag:s4], $0x80  }
0xc3: {  	[sflag:s4] =	ssyncset.done $0x0  }
0xc4: {  	s24 =	simm.s32 $0x680;
	[sflag:s4] =	ssyncadd.s32 $0xFFFFFF80  }
0xc5: {  	[spmem:s3] =	stream.indirect.scatter.add.f32 [tilespmem:s24], [sflag:$0x1], $0x1, s22, s9, $0xb8;
	[tilespmem:$0x1900] =	vst v63  }
0xc6: {  	_ =	swait.ge [sflag:s4], $0x80  }
0xc7: {  	[sflag:s4] =	ssyncset.done $0x0  }
0xc8: {  	s25 =	simm.s32 $0x300;
	s26 =	simm.s32 $0xB00;
	[sflag:s4] =	ssyncadd.s32 $0xFFFFFF80  }
0xc9: {  	[spmem:s5] =	stream.indirect.scatter.add.f32 [tilespmem:s26], [sflag:$0x1], $0x1, s25, s9, $0xb8;
	[tilespmem:$0x1900] =	vst v63  }
0xca: {  	_ =	swait.ge [sflag:s4], $0x80  }
0xcb: {  	[sflag:s4] =	ssyncset.done $0x0  }
0xcc: {  	s28 =	simm.s32 $0x700;
	[sflag:s4] =	ssyncadd.s32 $0xFFFFFF80  }
0xcd: {  	[spmem:s3] =	stream.indirect.scatter.add.f32 [tilespmem:s28], [sflag:$0x1], $0x1, s25, s9, $0xb8;
	[tilespmem:$0x1900] =	vst v63  }
0xce: {  	_ =	swait.ge [sflag:s4], $0x80  }
0xcf: {  	[sflag:s4] =	ssyncset.done $0x0  }
0xd0: {  	s29 =	simm.s32 $0x380;
	s30 =	simm.s32 $0xB80;
	[sflag:s4] =	ssyncadd.s32 $0xFFFFFF80  }
0xd1: {  	[spmem:s5] =	stream.indirect.scatter.add.f32 [tilespmem:s30], [sflag:$0x1], $0x1, s29, s9, $0xb8;
	[tilespmem:$0x1900] =	vst v63  }
0xd2: {  	_ =	swait.ge [sflag:s4], $0x80  }
0xd3: {  	[sflag:s4] =	ssyncset.done $0x0  }
0xd4: {  	s31 =	simm.s32 $0x780;
	[sflag:s4] =	ssyncadd.s32 $0xFFFFFF80  }
0xd5: {  	[spmem:s3] =	stream.indirect.scatter.add.f32 [tilespmem:s31], [sflag:$0x1], $0x1, s29, s9, $0xb8;
	[tilespmem:$0x1900] =	vst v63  }
0xd6: {  	_ =	swait.ge [sflag:s4], $0x80  }
0xd7: {  	[sflag:s4] =	ssyncset.done $0x0  }
0xd8: {  	[sflag:s4] =	ssyncadd.s32 $0xFFFFFF80  }
0xd9: {  	[bflag:$0x0] =	sbarrier.arrive $0xFFFF  }
0xda: {  	_ =	sfence.sel @p0 $0x180000  }
0xdb: {  	[bflag:$0x0] =	sbarrier.arrive @p0 $0xFFFF  }
0xdc: {  	_ =	strace @p0 $0x90000047  }
0xdd: {  	[bflag:$0x2] =	sbarrier.arrive @p0 $0xFFFF  }
0xde: {  	_ =	shalt @p0  }
.LBB2_1:
0xdf: {  	s6 =	simm.s32 $0x1000  }
0xe0: {  	[tilespmem:s6], [sflag:$0x1] =	stream.linear.gather [spmem:s5], $0x80, $0x38;
	[tilespmem:$0x1900] =	vst v63  }
0xe1: {  	s22 =	sadd.s32 $0x80, s5;
	s7 =	simm.s32 $0x1100  }
0xe2: {  	[tilespmem:s7], [sflag:$0x1] =	stream.linear.gather [spmem:s22], $0x80, $0x38;
	[tilespmem:$0x1900] =	vst v63  }
0xe3: {  	s23 =	sadd.s32 $0x100, s5;
	s24 =	simm.s32 $0x1200  }
0xe4: {  	[tilespmem:s24], [sflag:$0x1] =	stream.linear.gather [spmem:s23], $0x80, $0x38;
	[tilespmem:$0x1900] =	vst v63  }
0xe5: {  	s25 =	sadd.s32 $0x180, s5;
	s26 =	simm.s32 $0x1300  }
0xe6: {  	[tilespmem:s26], [sflag:$0x1] =	stream.linear.gather [spmem:s25], $0x80, $0x38;
	[tilespmem:$0x1900] =	vst v63  }
0xe7: {  	s28 =	sadd.s32 $0x200, s5;
	s29 =	simm.s32 $0x1400  }
0xe8: {  	[tilespmem:s29], [sflag:$0x1] =	stream.linear.gather [spmem:s28], $0x80, $0x38;
	[tilespmem:$0x1900] =	vst v63  }
0xe9: {  	s30 =	sadd.s32 $0x280, s5;
	s31 =	simm.s32 $0x1500  }
0xea: {  	[tilespmem:s31], [sflag:$0x1] =	stream.linear.gather [spmem:s30], $0x80, $0x38;
	[tilespmem:$0x1900] =	vst v63  }
0xeb: {  	s8 =	sadd.s32 $0x300, s5;
	s9 =	simm.s32 $0x1600  }
0xec: {  	[tilespmem:s9], [sflag:$0x1] =	stream.linear.gather [spmem:s8], $0x80, $0x38;
	[tilespmem:$0x1900] =	vst v63  }
0xed: {  	s10 =	sadd.s32 $0x380, s5;
	s11 =	simm.s32 $0x1700  }
0xee: {  	[tilespmem:s11], [sflag:$0x1] =	stream.linear.gather [spmem:s10], $0x80, $0x38;
	[tilespmem:$0x1900] =	vst v63  }
0xef: {  	_ =	swait.ge [sflag:s4], $0x400  }
0xf0: {  	[sflag:s4] =	ssyncset.done $0x0  }
0xf1: {  	s12 =	simm.s32 $0x1080;
	[sflag:s4] =	ssyncadd.s32 $0xFFFFFC00  }
0xf2: {  	[tilespmem:s12], [sflag:$0x1] =	stream.linear.gather [spmem:s3], $0x80, $0x38;
	[tilespmem:$0x1900] =	vst v63  }
0xf3: {  	s13 =	sadd.s32 $0x80, s3;
	s14 =	simm.s32 $0x1180  }
0xf4: {  	[tilespmem:s14], [sflag:$0x1] =	stream.linear.gather [spmem:s13], $0x80, $0x38;
	[tilespmem:$0x1900] =	vst v63  }
0xf5: {  	s15 =	sadd.s32 $0x100, s3;
	s16 =	simm.s32 $0x1280  }
0xf6: {  	[tilespmem:s16], [sflag:$0x1] =	stream.linear.gather [spmem:s15], $0x80, $0x38;
	[tilespmem:$0x1900] =	vst v63  }
0xf7: {  	s17 =	sadd.s32 $0x180, s3;
	s18 =	simm.s32 $0x1380  }
0xf8: {  	[tilespmem:s18], [sflag:$0x1] =	stream.linear.gather [spmem:s17], $0x80, $0x38;
	[tilespmem:$0x1900] =	vst v63  }
0xf9: {  	s19 =	sadd.s32 $0x200, s3;
	s20 =	simm.s32 $0x1480  }
0xfa: {  	[tilespmem:s20], [sflag:$0x1] =	stream.linear.gather [spmem:s19], $0x80, $0x38;
	[tilespmem:$0x1900] =	vst v63  }
0xfb: {  	s21 =	sadd.s32 $0x280, s3;
	s22 =	simm.s32 $0x1580  }
0xfc: {  	[tilespmem:s22], [sflag:$0x1] =	stream.linear.gather [spmem:s21], $0x80, $0x38;
	[tilespmem:$0x1900] =	vst v63  }
0xfd: {  	s23 =	sadd.s32 $0x300, s3;
	s24 =	simm.s32 $0x1680  }
0xfe: {  	[tilespmem:s24], [sflag:$0x1] =	stream.linear.gather [spmem:s23], $0x80, $0x38;
	[tilespmem:$0x1900] =	vst v63  }
0xff: {  	s25 =	sadd.s32 $0x380, s3;
	s26 =	simm.s32 $0x1780  }
0x100: {  	[tilespmem:s26], [sflag:$0x1] =	stream.linear.gather [spmem:s25], $0x80, $0x38;
	[tilespmem:$0x1900] =	vst v63  }
0x101: {  	_ =	swait.ge [sflag:s4], $0x400  }
0x102: {  	s28 =	sand.u32 $0x70, s2;
	s29 =	sand.u32 $0x700, s2;
	[sflag:s4] =	ssyncset.done $0x0  }
0x103: {  	s3 =	sor.u32 s28, s29;
	[sflag:s4] =	ssyncadd.s32 $0xFFFFFC00  }
0x104: {  	v1 =	vld [tilespmem:s3+$0x1000];
	_ =	sdelay $0x3  }
0x105: {  	s2 =	simm.s32 $0x20;
	s30 =	simm.s32 $0x10  }
0x106: {  	s31 =	sand.u32 $0x700, s2;
	s4 =	sand.u32 $0x70, s30;
	v3 =	vmul.f32 $-6.103515630e-05, v1;
	v1 =	vld [tilespmem:s3+$0x1080]  }
0x107: {  	s3 =	sor.u32 s4, s31  }
0x108: {  	v2 =	vld [tilespmem:s3+$0x1000]  }
0x109: {  	s4 =	simm.s32 $0x20;
	v3 =	vadd.f32 $1.000000000e+00, v3  }
.LBB2_2:
0x10a: {  	p0 =	sne.s32 s4, $0x3E0  }
.Ltmp0:
0x10b: {  	s5 =	sand.u32 $0x70, s4;
	s2 =	sadd.s32 $0x20, s2;
	v3 =	vmul.f32 v3, v1;
	(pc) =	sbr.rel @p0 .LBB2_2-.Ltmp0, $4  }
0x10c: {  	s4 =	sadd.s32 $0x10, s4;
	s6 =	sand.u32 $0x700, s2;
	v1 =	vld [tilespmem:s3+$0x1080]  }
0x10d: {  	s3 =	sor.u32 s5, s6;
	v4 =	vmul.f32 $-6.103515630e-05, v2;
	v0 =	vadd.f32 v3, v0  }
0x10e: {  	v2 =	vld [tilespmem:s3+$0x1000]  }
0x10f: {  	v3 =	vadd.f32 $1.000000000e+00, v4  }
0x110: {  	_ =	sdelay $0x1  }
0x111: {  	v4 =	vld [tilespmem:s3+$0x1080]  }
0x112: {  	v2 =	vmul.f32 $-6.103515630e-05, v2;
	_ =	sdelay $0x1  }
0x113: {  	v1 =	vmul.f32 v3, v1;
	v2 =	vadd.f32 $1.000000000e+00, v2;
	_ =	sdelay $0x1  }
0x114: {  	v0 =	vadd.f32 v1, v0;
	v62 =	vmul.f32 v2, v4;
	_ =	sdelay $0x1  }
0x115: {  	v0 =	vadd.f32 v62, v0;
	_ =	sdelay $0x1  }
0x116: {  	(xrf2) =	vadd.scan.msk.f32 $0xffff, v0;
	_ =	sdelay $0x9  }
0x117: {  	v0, _, _ =	vpop (xrf2)  }
0x118: {  	(v2sf) =	vpush v0, $0xF;
	_ =	sdelay $0xe  }
0x119: {  	s2 =	spop (v2sf)  }
0x11a: {  	s2 =	smul.f32 $6.103515630e-05, s2;
	_ =	sdelay $0x1  }
0x11b: {  	v63 =	vmov s2  }
0x11c: {  	s29 =	simm.s32 $0x0;
	s30 =	simm.s32 $0x1800;
	s31 =	simm.s32 $0x1;
	[tilespmem:$0x1800] =	vst v63  }
0x11d: {  	[hbm4b:s1+s29] =	stream.linear.scatter [tilespmem:s30], [sflag:$0x1], $0x80, $0x38;
	[tilespmem:$0x1900] =	vst v63  }
0x11e: {  	_ =	swait.ge [sflag:s31], $0x80  }
0x11f: {  	[sflag:s31] =	ssyncset.done $0x0  }
0x120: {  	[sflag:s31] =	ssyncadd.s32 $0xFFFFFF80  }
0x121: {  	_ =	sfence.sel $0x180000  }
0x122: {  	[bflag:$0x0] =	sbarrier.arrive $0xFFFF  }
0x123: {  	_ =	strace $0x90000047  }
0x124: {  	s0 =	sadd.s32 $0x100000, s0;
	[bflag:$0x2] =	sbarrier.arrive $0xFFFF  }
0x125: {  	[sflag:s0] =	ssyncadd.tile.s32 $0x1;
	_ =	shalt  }
.Lfunc_end2:
_tile_overlayer_lowered:
.L_overlay_start_2:
0x126: {  	(tag) =	ssettag $0x2  }
0x127: {  	s0 =	rddreg [dreg:$0x0];
	s2 =	stileid.u32  }
0x128: {  	s1 =	rddreg [dreg:$0x1];
	p0 =	sne.s32 s2, $0x0  }
0x129: {  	s3 =	rddreg [dreg:$0x2];
	[bflag:$0x3] =	sbarrier.arrive $0xFFFF;
	s2 =	simm.s32 @!p0 $0x1C01  }
0x12a: {  	[timem:s3], [sflag:s2] =	dma.local @!p0 [hbm:s0], s1  }
0x12b: {  	s0 =	simm.s32 @!p0 $0x1  }
0x12c: {  	_ =	swait.ge @!p0 [sflag:s0], s1  }
0x12d: {  	s1 =	ssub.s32 @!p0 $0x0, s1;
	[sflag:s0] =	ssyncset.done @!p0 $0x0  }
0x12e: {  	[sflag:s0] =	ssyncadd.s32 @!p0 s1  }
0x12f: {  	[bflag:$0x3] =	sbarrier.arrive $0xFFFF  }
0x130: {  	_ =	shalt  }

</sc_bundles>
